<compile_context>
chip_gen: v7x
topology: tpu7x:2x2x1
jax: 0.10.2.dev20260603
libtpu: 0.0.44.dev20260713+nightly
codegen_flags: <defaults>
</compile_context>

<pallas_src>
import functools

import jax
import jax.numpy as jnp
from jax import lax
from jax.experimental import pallas as pl
from jax.experimental.pallas import tpu as pltpu
from jax.experimental.pallas import tpu_sc as plsc

N_NODES = 10000
NACC = 10240
HIDDEN = 128
GEO_PAD = 128
EPS = 1e-5
BLK = 4096
CH = 320
NW = 32


def _sc_redistribute(nf, geo_pad, i_o, j_o, k_o, slot):
    n = i_o.shape[0]
    P = ((n + 4 * BLK) + BLK - 1) // BLK * BLK
    nchunk = n // CH
    steps = (nchunk + NW - 1) // NW
    mesh = plsc.VectorSubcoreMesh(core_axis_name="c", subcore_axis_name="s")

    @functools.partial(
        pl.kernel,
        out_type=[
            jax.ShapeDtypeStruct((P, HIDDEN), jnp.float32),
            jax.ShapeDtypeStruct((P, HIDDEN), jnp.float32),
            jax.ShapeDtypeStruct((P, HIDDEN), jnp.float32),
            jax.ShapeDtypeStruct((P, GEO_PAD), jnp.float32),
        ],
        mesh=mesh,
        scratch_types=[
            pltpu.VMEM((CH,), jnp.int32),
            pltpu.VMEM((CH,), jnp.int32),
            pltpu.VMEM((CH,), jnp.int32),
            pltpu.VMEM((CH,), jnp.int32),
            pltpu.VMEM((CH, HIDDEN), jnp.float32),
            pltpu.VMEM((CH, HIDDEN), jnp.float32),
            pltpu.SemaphoreType.DMA,
            pltpu.SemaphoreType.DMA,
            pltpu.SemaphoreType.DMA,
            pltpu.SemaphoreType.DMA,
        ],
    )
    def k(nf_h, geo_h, i_h, j_h, k_h, slot_h, xi_h, xj_h, xk_h, geo_o,
          ii_v, jj_v, kk_v, slot_v, buf0, buf1, semA, semB, semC, semD):
        wid = lax.axis_index("s") * 2 + lax.axis_index("c")

        def body(t, carry):
            g = wid + t * NW

            @pl.when(g < nchunk)
            def _():
                base = g * CH
                pltpu.sync_copy(slot_h.at[pl.ds(base, CH)], slot_v)
                pltpu.sync_copy(i_h.at[pl.ds(base, CH)], ii_v)
                pltpu.sync_copy(j_h.at[pl.ds(base, CH)], jj_v)
                pltpu.sync_copy(k_h.at[pl.ds(base, CH)], kk_v)
                hg0 = pltpu.async_copy(nf_h.at[ii_v], buf0, semA)
                hg1 = pltpu.async_copy(nf_h.at[jj_v], buf1, semB)
                hg0.wait()
                hs0 = pltpu.async_copy(buf0, xi_h.at[slot_v], semC)
                hg1.wait()
                hs1 = pltpu.async_copy(buf1, xj_h.at[slot_v], semD)
                hs0.wait()
                hg2 = pltpu.async_copy(nf_h.at[kk_v], buf0, semA)
                hs1.wait()
                hg3 = pltpu.async_copy(geo_h.at[pl.ds(base, CH)], buf1, semB)
                hg2.wait()
                hs2 = pltpu.async_copy(buf0, xk_h.at[slot_v], semC)
                hg3.wait()
                hs3 = pltpu.async_copy(buf1, geo_o.at[slot_v], semD)
                hs2.wait()
                hs3.wait()

            return carry

        lax.fori_loop(0, steps, body, 0)

    return k(nf, geo_pad, i_o, j_o, k_o, slot)


def _sc_scatter(z, i_o, slot, zeros_init):
    n = i_o.shape[0]
    nchunk = n // CH
    half0 = (nchunk + 1) // 2
    steps = (half0 + 15) // 16
    rows_per_tile = NACC // 16
    mesh = plsc.VectorSubcoreMesh(core_axis_name="c", subcore_axis_name="s")

    @functools.partial(
        pl.kernel,
        out_type=jax.ShapeDtypeStruct((2, NACC, HIDDEN), jnp.float32),
        mesh=mesh,
        scratch_types=[
            pltpu.VMEM((CH,), jnp.int32),
            pltpu.VMEM((CH,), jnp.int32),
            pltpu.VMEM((CH, HIDDEN), jnp.float32),
            pltpu.VMEM_SHARED((NACC, HIDDEN), jnp.float32),
            pltpu.SemaphoreType.DMA,
        ],
    )
    def k(z_h, i_h, slot_h, zero_h, out_h, idx_v, slot_v, z_v, acc, sem):
        c = lax.axis_index("c")
        s = lax.axis_index("s")

        @pl.when(s == 0)
        def _():
            pltpu.sync_copy(zero_h, acc)

        plsc.subcore_barrier()
        start_c = c * half0
        end_c = half0 + c * (nchunk - half0)

        def body(t, carry):
            g = start_c + s + t * 16

            @pl.when(g < end_c)
            def _():
                base = g * CH
                pltpu.sync_copy(slot_h.at[pl.ds(base, CH)], slot_v)
                pltpu.async_copy(z_h.at[slot_v], z_v, sem).wait()
                pltpu.sync_copy(i_h.at[pl.ds(base, CH)], idx_v)
                pltpu.sync_copy(z_v, acc.at[idx_v], add=True)

            return carry

        lax.fori_loop(0, steps, body, 0)
        plsc.subcore_barrier()
        r0 = s * rows_per_tile
        pltpu.sync_copy(acc.at[pl.ds(r0, rows_per_tile)],
                        out_h.at[c, pl.ds(r0, rows_per_tile)])

    return k(z, i_o, slot, zeros_init)


def _valid_mask(m, br, ve_ref):
    rows = m * BLK + lax.broadcasted_iota(jnp.int32, (BLK, 1), 0)
    return rows < ve_ref[br]


def _accum_stats(m, br, y, v, s_ref, q_ref):
    @pl.when(m == 0)
    def _():
        s_ref[...] = jnp.zeros_like(s_ref)
        q_ref[...] = jnp.zeros_like(q_ref)

    s_ref[br] += jnp.sum(jnp.where(v, y, 0.0), axis=0, keepdims=True)
    q_ref[br] += jnp.sum(jnp.where(v, y * y, 0.0), axis=0, keepdims=True)


def _l0_body(bb_ref, ve_ref, cnt_ref, xi, xj, xk, gg, wa, wb, wc, wg, b0,
             y_ref, s_ref, q_ref):
    m = pl.program_id(0)
    br = bb_ref[m]
    y = jnp.dot(xi[...], wa[br], preferred_element_type=jnp.float32)
    y += jnp.dot(xj[...], wb[br], preferred_element_type=jnp.float32)
    y += jnp.dot(xk[...], wc[br], preferred_element_type=jnp.float32)
    y += jnp.dot(gg[...], wg[br], preferred_element_type=jnp.float32)
    y += b0[br]
    y_ref[...] = y
    _accum_stats(m, br, y, _valid_mask(m, br, ve_ref), s_ref, q_ref)


def _mid_body(bb_ref, ve_ref, cnt_ref, yp, sp, qp, w, bv, ga, be,
              y_ref, s_ref, q_ref):
    m = pl.program_id(0)
    br = bb_ref[m]
    cnt = cnt_ref[br]
    mean = sp[br] / cnt
    var = qp[br] / cnt - mean * mean
    x = (yp[...] - mean) * lax.rsqrt(var + EPS)
    x = x * ga[br] + be[br]
    x = jnp.maximum(x, 0.0)
    y = jnp.dot(x, w[br], preferred_element_type=jnp.float32) + bv[br]
    y_ref[...] = y
    _accum_stats(m, br, y, _valid_mask(m, br, ve_ref), s_ref, q_ref)


def _fin_body(bb_ref, ve_ref, cnt_ref, yp, sp, qp, ga, be, attb, z_ref):
    m = pl.program_id(0)
    br = bb_ref[m]
    cnt = cnt_ref[br]
    mean = sp[br] / cnt
    var = qp[br] / cnt - mean * mean
    x = (yp[...] - mean) * lax.rsqrt(var + EPS)
    x = x * ga[br] + be[br]
    x = jnp.maximum(x, 0.0)
    z_ref[...] = jnp.where(_valid_mask(m, br, ve_ref), x * attb[br], 0.0)


def _full(shape):
    nd = len(shape)
    return pl.BlockSpec(shape, lambda m, *_: (0,) * nd)


def _rows(width):
    return pl.BlockSpec((BLK, width), lambda m, *_: (m, 0))


def _tc_call(body, nb, in_specs, out_specs, out_shape, args):
    grid_spec = pltpu.PrefetchScalarGridSpec(
        num_scalar_prefetch=3,
        grid=(nb,),
        in_specs=in_specs,
        out_specs=out_specs,
    )
    return pl.pallas_call(body, grid_spec=grid_spec, out_shape=out_shape)(*args)


def _add_body(a, b, o):
    o[...] = a[...] + b[...]


def kernel(node_feature, geo_encoding, edge_index_2rd, edx_jk, edx_ij,
           num_edge_inside, att, g, W0, b0, Wh, bh, gamma, beta):
    n = edx_ij.shape[0]
    P = ((n + 4 * BLK) + BLK - 1) // BLK * BLK
    nb = P // BLK

    i = edge_index_2rd[0]
    j = edge_index_2rd[1]
    kk = edge_index_2rd[2]
    br = 2 * (edx_ij >= num_edge_inside).astype(jnp.int32) \
        + (edx_jk >= num_edge_inside).astype(jnp.int32)

    onehot = (br[:, None] == jnp.arange(4)[None, :]).astype(jnp.int32)
    counts = jnp.sum(onehot, axis=0)
    padded = ((counts + BLK - 1) // BLK) * BLK
    pstart = jnp.concatenate([jnp.zeros(1, jnp.int32),
                              jnp.cumsum(padded)[:3].astype(jnp.int32)])
    rank = jnp.sum(jnp.cumsum(onehot, axis=0) * onehot, axis=1) - 1
    slot = (pstart[br] + rank).astype(jnp.int32)
    valid_end = pstart + counts
    block_starts = jnp.arange(nb, dtype=jnp.int32) * BLK
    block_branch = jnp.sum(
        (block_starts[:, None] >= pstart[None, 1:]).astype(jnp.int32), axis=1)
    cnt_f = counts.astype(jnp.float32)

    geo_pad = jnp.pad(geo_encoding, ((0, 0), (0, GEO_PAD - geo_encoding.shape[1])))
    Wa = W0[:, 0:HIDDEN]
    Wb = W0[:, HIDDEN:2 * HIDDEN]
    Wc = W0[:, 2 * HIDDEN:3 * HIDDEN]
    Wg = jnp.pad(W0[:, 3 * HIDDEN:], ((0, 0), (0, GEO_PAD - (W0.shape[1] - 3 * HIDDEN)), (0, 0)))
    att_b = jnp.broadcast_to(att[:, None, None], (4, 1, HIDDEN))

    xi, xj, xk, geo_s = _sc_redistribute(node_feature, geo_pad,
                                         i.astype(jnp.int32),
                                         j.astype(jnp.int32),
                                         kk.astype(jnp.int32), slot)

    stats_shape = jax.ShapeDtypeStruct((4, 1, HIDDEN), jnp.float32)
    y_shape = jax.ShapeDtypeStruct((P, HIDDEN), jnp.float32)
    scalars = (block_branch, valid_end, cnt_f)

    y, s, q = _tc_call(
        _l0_body, nb,
        [_rows(HIDDEN), _rows(HIDDEN), _rows(HIDDEN), _rows(GEO_PAD),
         _full((4, HIDDEN, HIDDEN)), _full((4, HIDDEN, HIDDEN)),
         _full((4, HIDDEN, HIDDEN)), _full((4, GEO_PAD, HIDDEN)),
         _full((4, 1, HIDDEN))],
        [_rows(HIDDEN), _full((4, 1, HIDDEN)), _full((4, 1, HIDDEN))],
        [y_shape, stats_shape, stats_shape],
        (*scalars, xi, xj, xk, geo_s, Wa, Wb, Wc, Wg, b0[:, None, :]),
    )

    for layer in range(1, 4):
        y, s, q = _tc_call(
            _mid_body, nb,
            [_rows(HIDDEN), _full((4, 1, HIDDEN)), _full((4, 1, HIDDEN)),
             _full((4, HIDDEN, HIDDEN)), _full((4, 1, HIDDEN)),
             _full((4, 1, HIDDEN)), _full((4, 1, HIDDEN))],
            [_rows(HIDDEN), _full((4, 1, HIDDEN)), _full((4, 1, HIDDEN))],
            [y_shape, stats_shape, stats_shape],
            (*scalars, y, s, q, Wh[:, layer - 1], bh[:, layer - 1, :, None].transpose(0, 2, 1),
             gamma[:, layer - 1][:, None, :], beta[:, layer - 1][:, None, :]),
        )

    z = _tc_call(
        _fin_body, nb,
        [_rows(HIDDEN), _full((4, 1, HIDDEN)), _full((4, 1, HIDDEN)),
         _full((4, 1, HIDDEN)), _full((4, 1, HIDDEN)), _full((4, 1, HIDDEN))],
        [_rows(HIDDEN)],
        [y_shape],
        (*scalars, y, s, q, gamma[:, 3][:, None, :], beta[:, 3][:, None, :], att_b),
    )[0]

    zeros_init = jnp.zeros((NACC, HIDDEN), jnp.float32)
    partials = _sc_scatter(z, i.astype(jnp.int32), slot, zeros_init)

    out = pl.pallas_call(
        _add_body,
        grid=(N_NODES // 400,),
        in_specs=[pl.BlockSpec((400, HIDDEN), lambda m: (m, 0)),
                  pl.BlockSpec((400, HIDDEN), lambda m: (m, 0))],
        out_specs=pl.BlockSpec((400, HIDDEN), lambda m: (m, 0)),
        out_shape=jax.ShapeDtypeStruct((N_NODES, HIDDEN), jnp.float32),
    )(partials[0], partials[1])
    return out

# --- scband reference (transcript-rebuilt; emitter-appended) ---
"""Pipeline reference for scband-spnn-7756710936952 (READ-ONLY COPY).

The authoritative reference and input builder live on the scoring server;
editing this copy changes nothing except your own understanding.
"""

import jax, jax.numpy as jnp
import numpy as np

N_NODES = 10000
N_TRIPLETS = 160000
N_EDGES = 160000
HIDDEN = 128
GEO = 13
IN0 = HIDDEN * 3 + GEO
NLAYERS = 4
EPS = 1e-5


def setup_inputs(seed: int = 0):
    key = jax.random.key(seed)
    ks = jax.random.split(key, 12)
    node_feature = jax.random.normal(ks[0], (N_NODES, HIDDEN), dtype=jnp.float32)
    geo_encoding = jax.random.normal(ks[1], (N_TRIPLETS, GEO), dtype=jnp.float32)
    edge_index_2rd = jax.random.randint(ks[2], (3, N_TRIPLETS), 0, N_NODES)
    edx_jk = jax.random.randint(ks[3], (N_TRIPLETS,), 0, N_EDGES)
    edx_ij = jax.random.randint(ks[4], (N_TRIPLETS,), 0, N_EDGES)
    att = jax.random.uniform(ks[5], (4,), dtype=jnp.float32)
    W0 = jax.random.normal(ks[6], (4, IN0, HIDDEN), dtype=jnp.float32) / np.sqrt(IN0)
    b0 = jnp.zeros((4, HIDDEN), dtype=jnp.float32)
    Wh = jax.random.normal(ks[7], (4, NLAYERS - 1, HIDDEN, HIDDEN), dtype=jnp.float32) / np.sqrt(HIDDEN)
    bh = jnp.zeros((4, NLAYERS - 1, HIDDEN), dtype=jnp.float32)
    gamma = jnp.ones((4, NLAYERS, HIDDEN), dtype=jnp.float32)
    beta = jnp.zeros((4, NLAYERS, HIDDEN), dtype=jnp.float32)
    return {"node_feature": node_feature, "geo_encoding": geo_encoding,
            "edge_index_2rd": edge_index_2rd, "edx_jk": edx_jk, "edx_ij": edx_ij,
            "num_edge_inside": 80000, "att": att, "g": 1,
            "W0": W0, "b0": b0, "Wh": Wh, "bh": bh, "gamma": gamma, "beta": beta}


def _mlp_branch(x, idx, W0, b0, Wh, bh, gamma, beta, valid, count):
    # Linear -> BatchNorm1d (training-mode batch stats, biased var) -> ReLU, repeated
    v = valid[:, None]
    cnt = count.astype(jnp.float32)
    for layer in range(NLAYERS):
        if layer == 0:
            x = x @ W0[idx] + b0[idx]
        else:
            x = x @ Wh[idx, layer - 1] + bh[idx, layer - 1]
        mean = jnp.sum(x * v, axis=0) / cnt
        var = jnp.sum(((x - mean) ** 2) * v, axis=0) / cnt
        x = (x - mean) / jnp.sqrt(var + EPS) * gamma[idx, layer] + beta[idx, layer]
        x = jax.nn.relu(x)
    return x


def reference(node_feature, geo_encoding, edge_index_2rd, edx_jk, edx_ij,
              num_edge_inside, att, g, W0, b0, Wh, bh, gamma, beta):
    i, j, k = edge_index_2rd[0], edge_index_2rd[1], edge_index_2rd[2]
    x_i = jnp.concatenate([node_feature[i], node_feature[j], node_feature[k], geo_encoding], axis=-1)
    m11 = (edx_ij < num_edge_inside) & (edx_jk < num_edge_inside)
    m12 = (edx_ij < num_edge_inside) & (edx_jk >= num_edge_inside)
    m21 = (edx_ij >= num_edge_inside) & (edx_jk < num_edge_inside)
    m22 = (edx_ij >= num_edge_inside) & (edx_jk >= num_edge_inside)
    masks = [m11, m12, m21, m22]
    n = edx_ij.shape[0]
    positions = jnp.arange(n)
    x_output = jnp.zeros((x_i.shape[0], HIDDEN), dtype=jnp.float32)
    for idx in range(4):
        count = jnp.sum(masks[idx])
        sel = jnp.nonzero(masks[idx], size=n, fill_value=0)[0]
        valid = (positions < count).astype(jnp.float32)
        x = _mlp_branch(x_i[sel], idx, W0, b0, Wh, bh, gamma, beta, valid, count)
        x = jax.nn.leaky_relu(x) * att[idx]
        x_output = x_output.at[sel].add(x * valid[:, None])
    out_feature = jax.ops.segment_sum(x_output, i, num_segments=N_NODES)
    return out_feature

if __name__ == "__main__":
    import jax
    _d = setup_inputs()
    print(jax.jit(kernel)(*tuple(_d.values())))

</pallas_src>

<mosaic_0001>
#map = affine_map<(d0, d1) -> (0, 0)>
#map1 = affine_map<(d0, d1) -> (0)>
#map2 = affine_map<(d0, d1) -> (0, 0, 0)>
module attributes {stable_mosaic.version = 14 : i64} {
  func.func @k(%arg0: i32, %arg1: i32, %arg2: memref<180224x128xf32, #tpu.memory_space<hbm>>, %arg3: memref<160000xi32, #tpu.memory_space<hbm>>, %arg4: memref<160000xi32, #tpu.memory_space<hbm>>, %arg5: memref<10240x128xf32, #tpu.memory_space<hbm>>, %arg6: memref<2x10240x128xf32, #tpu.memory_space<hbm>>, %arg7: memref<320xi32, #tpu.memory_space<vmem>>, %arg8: memref<320xi32, #tpu.memory_space<vmem>>, %arg9: memref<320x128xf32, #tpu.memory_space<vmem>>, %arg10: memref<10240x128xf32, #tpu.memory_space<vmem_shared>>, %arg11: memref<!tpu.dma_semaphore, #tpu.memory_space<semaphore_mem>>) attributes {dimension_semantics = [#tpu.dimension_semantics<core_parallel>, #tpu.dimension_semantics<subcore_parallel>], iteration_bounds = array<i64: 2, 16>, scalar_prefetch = 0 : i64, scratch_operands = 5 : i64, tpu.core_type = #tpu.core_type<sc_vector_subcore>, window_params = [{transform_indices = #map}, {transform_indices = #map1}, {transform_indices = #map1}, {transform_indices = #map}, {transform_indices = #map2}]} {
    %eq3A = arith.constant 0 : i32
    %eq3A_0 = arith.cmpi eq, %arg1, %eq3A : i32
    %convert_element_type3A = arith.extui %eq3A_0 : i1 to i32
    %cond3A = arith.constant 0 : i32
    %cond3A_1 = arith.cmpi ne, %convert_element_type3A, %cond3A : i32
    scf.if %cond3A_1 {
      "tpu.region"() ({
        %run_scoped3A = tpu.sem_alloc : memref<!tpu.dma_semaphore, #tpu.memory_space<semaphore_mem>>
        tpu.enqueue_dma source(%arg5 : memref<10240x128xf32, #tpu.memory_space<hbm>>) target(%arg10 : memref<10240x128xf32, #tpu.memory_space<vmem_shared>>) target_semaphore(%run_scoped3A : memref<!tpu.dma_semaphore, #tpu.memory_space<semaphore_mem>>)
        tpu.wait_dma2 semaphore(%run_scoped3A : memref<!tpu.dma_semaphore, #tpu.memory_space<semaphore_mem>>) src(%arg5 : memref<10240x128xf32, #tpu.memory_space<hbm>>) dst(%arg10 : memref<10240x128xf32, #tpu.memory_space<vmem_shared>>)
        tpu.yield
      }) : () -> ()
    } else {
    }
    %barrier3A = arith.constant 0 : index
    tpu.barrier barrier_id(%barrier3A)
    %mul3A = arith.constant 250 : i32
    %mul3A_2 = arith.muli %arg0, %mul3A : i32
    %mul3A_3 = arith.constant 250 : i32
    %mul3A_4 = arith.muli %arg0, %mul3A_3 : i32
    %add3A = arith.constant 250 : i32
    %add3A_5 = arith.addi %add3A, %mul3A_4 : i32
    %scan3A = arith.constant 0 : i32
    %scan3A_6 = arith.constant 0 : i32
    %scan3A_7 = arith.constant 16 : i32
    %scan3A_8 = arith.addi %scan3A_6, %scan3A_7 : i32
    %scan3A_9 = arith.constant 1 : i32
    scf.for %scan3A_14 = %scan3A_6 to %scan3A_8 step %scan3A_9  : i32 {
      %add3A_15 = arith.addi %mul3A_2, %arg1 : i32
      %mul3A_16 = arith.constant 16 : i32
      %mul3A_17 = arith.muli %scan3A_14, %mul3A_16 : i32
      %add3A_18 = arith.addi %add3A_15, %mul3A_17 : i32
      %lt3A = arith.cmpi slt, %add3A_18, %add3A_5 : i32
      %convert_element_type3A_19 = arith.extui %lt3A : i1 to i32
      %cond3A_20 = arith.constant 0 : i32
      %cond3A_21 = arith.cmpi ne, %convert_element_type3A_19, %cond3A_20 : i32
      scf.if %cond3A_21 {
        %mul3A_22 = arith.constant 320 : i32
        %mul3A_23 = arith.muli %add3A_18, %mul3A_22 : i32
        "tpu.region"() ({
          %run_scoped3A = tpu.sem_alloc : memref<!tpu.dma_semaphore, #tpu.memory_space<semaphore_mem>>
          %dma_start3A_28 = tpu.memref_slice %arg4[%mul3A_23] : memref<160000xi32, #tpu.memory_space<hbm>> -> memref<320xi32, #tpu.memory_space<hbm>>
          %dma_start3A_29 = tpu.memref_slice %arg4[%mul3A_23] : memref<160000xi32, #tpu.memory_space<hbm>> -> memref<320xi32, #tpu.memory_space<hbm>>
          tpu.enqueue_dma source(%dma_start3A_29 : memref<320xi32, #tpu.memory_space<hbm>>) target(%arg8 : memref<320xi32, #tpu.memory_space<vmem>>) target_semaphore(%run_scoped3A : memref<!tpu.dma_semaphore, #tpu.memory_space<semaphore_mem>>)
          %dma_wait3A_30 = tpu.memref_slice %arg4[%mul3A_23] : memref<160000xi32, #tpu.memory_space<hbm>> -> memref<320xi32, #tpu.memory_space<hbm>>
          %dma_wait3A_31 = tpu.memref_slice %arg4[%mul3A_23] : memref<160000xi32, #tpu.memory_space<hbm>> -> memref<320xi32, #tpu.memory_space<hbm>>
          tpu.wait_dma2 semaphore(%run_scoped3A : memref<!tpu.dma_semaphore, #tpu.memory_space<semaphore_mem>>) src(%dma_wait3A_31 : memref<320xi32, #tpu.memory_space<hbm>>) dst(%arg8 : memref<320xi32, #tpu.memory_space<vmem>>)
          tpu.yield
        }) : () -> ()
        %dma_start3A = arith.constant 0 : i32
        %dma_start3A_24 = arith.constant 0 : i32
        %dma_start3A_25 = tpu.memref_slice %arg2[%dma_start3A, %dma_start3A_24] : memref<180224x128xf32, #tpu.memory_space<hbm>> -> memref<180224x128xf32, #tpu.memory_space<hbm>>
        tpu.enqueue_indirect_dma source(%dma_start3A_25 : memref<180224x128xf32, #tpu.memory_space<hbm>>) target(%arg9 : memref<320x128xf32, #tpu.memory_space<vmem>>) offsets(%arg8 : memref<320xi32, #tpu.memory_space<vmem>>) semaphore(%arg11 : memref<!tpu.dma_semaphore, #tpu.memory_space<semaphore_mem>>)
        %dma_wait3A = arith.constant 0 : i32
        %dma_wait3A_26 = arith.constant 0 : i32
        %dma_wait3A_27 = tpu.memref_slice %arg2[%dma_wait3A, %dma_wait3A_26] : memref<180224x128xf32, #tpu.memory_space<hbm>> -> memref<180224x128xf32, #tpu.memory_space<hbm>>
        tpu.wait_indirect_dma semaphore(%arg11 : memref<!tpu.dma_semaphore, #tpu.memory_space<semaphore_mem>>) src(%dma_wait3A_27 : memref<180224x128xf32, #tpu.memory_space<hbm>>) dst(%arg9 : memref<320x128xf32, #tpu.memory_space<vmem>>)
        "tpu.region"() ({
          %run_scoped3A = tpu.sem_alloc : memref<!tpu.dma_semaphore, #tpu.memory_space<semaphore_mem>>
          %dma_start3A_28 = tpu.memref_slice %arg3[%mul3A_23] : memref<160000xi32, #tpu.memory_space<hbm>> -> memref<320xi32, #tpu.memory_space<hbm>>
          %dma_start3A_29 = tpu.memref_slice %arg3[%mul3A_23] : memref<160000xi32, #tpu.memory_space<hbm>> -> memref<320xi32, #tpu.memory_space<hbm>>
          tpu.enqueue_dma source(%dma_start3A_29 : memref<320xi32, #tpu.memory_space<hbm>>) target(%arg7 : memref<320xi32, #tpu.memory_space<vmem>>) target_semaphore(%run_scoped3A : memref<!tpu.dma_semaphore, #tpu.memory_space<semaphore_mem>>)
          %dma_wait3A_30 = tpu.memref_slice %arg3[%mul3A_23] : memref<160000xi32, #tpu.memory_space<hbm>> -> memref<320xi32, #tpu.memory_space<hbm>>
          %dma_wait3A_31 = tpu.memref_slice %arg3[%mul3A_23] : memref<160000xi32, #tpu.memory_space<hbm>> -> memref<320xi32, #tpu.memory_space<hbm>>
          tpu.wait_dma2 semaphore(%run_scoped3A : memref<!tpu.dma_semaphore, #tpu.memory_space<semaphore_mem>>) src(%dma_wait3A_31 : memref<320xi32, #tpu.memory_space<hbm>>) dst(%arg7 : memref<320xi32, #tpu.memory_space<vmem>>)
          tpu.yield
        }) : () -> ()
        "tpu.region"() ({
          %run_scoped3A = tpu.sem_alloc : memref<!tpu.dma_semaphore, #tpu.memory_space<semaphore_mem>>
          %dma_start3A_28 = arith.constant 0 : i32
          %dma_start3A_29 = arith.constant 0 : i32
          %dma_start3A_30 = tpu.memref_slice %arg10[%dma_start3A_28, %dma_start3A_29] : memref<10240x128xf32, #tpu.memory_space<vmem_shared>> -> memref<10240x128xf32, #tpu.memory_space<vmem_shared>>
          tpu.enqueue_indirect_dma source(%arg9 : memref<320x128xf32, #tpu.memory_space<vmem>>) target(%dma_start3A_30 : memref<10240x128xf32, #tpu.memory_space<vmem_shared>>) offsets(%arg7 : memref<320xi32, #tpu.memory_space<vmem>>) semaphore(%run_scoped3A : memref<!tpu.dma_semaphore, #tpu.memory_space<semaphore_mem>>) {add = true}
          %dma_wait3A_31 = arith.constant 0 : i32
          %dma_wait3A_32 = arith.constant 0 : i32
          %dma_wait3A_33 = tpu.memref_slice %arg10[%dma_wait3A_31, %dma_wait3A_32] : memref<10240x128xf32, #tpu.memory_space<vmem_shared>> -> memref<10240x128xf32, #tpu.memory_space<vmem_shared>>
          tpu.wait_indirect_dma semaphore(%run_scoped3A : memref<!tpu.dma_semaphore, #tpu.memory_space<semaphore_mem>>) src(%arg9 : memref<320x128xf32, #tpu.memory_space<vmem>>) dst(%dma_wait3A_33 : memref<10240x128xf32, #tpu.memory_space<vmem_shared>>)
          tpu.yield
        }) : () -> ()
      } else {
      }
    }
    %scan3A_10 = arith.constant 16 : i32
    %barrier3A_11 = arith.constant 0 : index
    tpu.barrier barrier_id(%barrier3A_11)
    %mul3A_12 = arith.constant 640 : i32
    %mul3A_13 = arith.muli %arg1, %mul3A_12 : i32
    "tpu.region"() ({
      %run_scoped3A = tpu.sem_alloc : memref<!tpu.dma_semaphore, #tpu.memory_space<semaphore_mem>>
      %dma_start3A = arith.constant 0 : i32
      %dma_start3A_14 = tpu.memref_slice %arg6[%arg0, %mul3A_13, %dma_start3A] : memref<2x10240x128xf32, #tpu.memory_space<hbm>> -> memref<1x640x128xf32, #tpu.memory_space<hbm>>
      %dma_start3A_15 = tpu.memref_squeeze %dma_start3A_14 : memref<1x640x128xf32, #tpu.memory_space<hbm>> -> memref<640x128xf32, #tpu.memory_space<hbm>>
      %dma_start3A_16 = arith.constant 0 : i32
      %dma_start3A_17 = tpu.memref_slice %arg10[%mul3A_13, %dma_start3A_16] : memref<10240x128xf32, #tpu.memory_space<vmem_shared>> -> memref<640x128xf32, #tpu.memory_space<vmem_shared>>
      tpu.enqueue_dma source(%dma_start3A_17 : memref<640x128xf32, #tpu.memory_space<vmem_shared>>) target(%dma_start3A_15 : memref<640x128xf32, #tpu.memory_space<hbm>>) target_semaphore(%run_scoped3A : memref<!tpu.dma_semaphore, #tpu.memory_space<semaphore_mem>>)
      %dma_wait3A = arith.constant 0 : i32
      %dma_wait3A_18 = tpu.memref_slice %arg6[%arg0, %mul3A_13, %dma_wait3A] : memref<2x10240x128xf32, #tpu.memory_space<hbm>> -> memref<1x640x128xf32, #tpu.memory_space<hbm>>
      %dma_wait3A_19 = tpu.memref_squeeze %dma_wait3A_18 : memref<1x640x128xf32, #tpu.memory_space<hbm>> -> memref<640x128xf32, #tpu.memory_space<hbm>>
      %dma_wait3A_20 = arith.constant 0 : i32
      %dma_wait3A_21 = tpu.memref_slice %arg10[%mul3A_13, %dma_wait3A_20] : memref<10240x128xf32, #tpu.memory_space<vmem_shared>> -> memref<640x128xf32, #tpu.memory_space<vmem_shared>>
      tpu.wait_dma2 semaphore(%run_scoped3A : memref<!tpu.dma_semaphore, #tpu.memory_space<semaphore_mem>>) src(%dma_wait3A_21 : memref<640x128xf32, #tpu.memory_space<vmem_shared>>) dst(%dma_wait3A_19 : memref<640x128xf32, #tpu.memory_space<hbm>>)
      tpu.yield
    }) : () -> ()
    return
  }
}

#map = affine_map<(d0, d1) -> (0, 0)>
#map1 = affine_map<(d0, d1) -> (0)>
module attributes {stable_mosaic.version = 14 : i64} {
  func.func @k(%arg0: i32, %arg1: i32, %arg2: memref<10000x128xf32, #tpu.memory_space<hbm>>, %arg3: memref<160000x128xf32, #tpu.memory_space<hbm>>, %arg4: memref<160000xi32, #tpu.memory_space<hbm>>, %arg5: memref<160000xi32, #tpu.memory_space<hbm>>, %arg6: memref<160000xi32, #tpu.memory_space<hbm>>, %arg7: memref<160000xi32, #tpu.memory_space<hbm>>, %arg8: memref<180224x128xf32, #tpu.memory_space<hbm>>, %arg9: memref<180224x128xf32, #tpu.memory_space<hbm>>, %arg10: memref<180224x128xf32, #tpu.memory_space<hbm>>, %arg11: memref<180224x128xf32, #tpu.memory_space<hbm>>, %arg12: memref<320xi32, #tpu.memory_space<vmem>>, %arg13: memref<320xi32, #tpu.memory_space<vmem>>, %arg14: memref<320xi32, #tpu.memory_space<vmem>>, %arg15: memref<320xi32, #tpu.memory_space<vmem>>, %arg16: memref<320x128xf32, #tpu.memory_space<vmem>>, %arg17: memref<320x128xf32, #tpu.memory_space<vmem>>, %arg18: memref<!tpu.dma_semaphore, #tpu.memory_space<semaphore_mem>>, %arg19: memref<!tpu.dma_semaphore, #tpu.memory_space<semaphore_mem>>, %arg20: memref<!tpu.dma_semaphore, #tpu.memory_space<semaphore_mem>>, %arg21: memref<!tpu.dma_semaphore, #tpu.memory_space<semaphore_mem>>) attributes {dimension_semantics = [#tpu.dimension_semantics<core_parallel>, #tpu.dimension_semantics<subcore_parallel>], iteration_bounds = array<i64: 2, 16>, scalar_prefetch = 0 : i64, scratch_operands = 10 : i64, tpu.core_type = #tpu.core_type<sc_vector_subcore>, window_params = [{transform_indices = #map}, {transform_indices = #map}, {transform_indices = #map1}, {transform_indices = #map1}, {transform_indices = #map1}, {transform_indices = #map1}, {transform_indices = #map}, {transform_indices = #map}, {transform_indices = #map}, {transform_indices = #map}]} {
    %mul3A = arith.constant 2 : i32
    %mul3A_0 = arith.muli %arg1, %mul3A : i32
    %add3A = arith.addi %mul3A_0, %arg0 : i32
    %scan3A = arith.constant 0 : i32
    %scan3A_1 = arith.constant 0 : i32
    %scan3A_2 = arith.constant 16 : i32
    %scan3A_3 = arith.addi %scan3A_1, %scan3A_2 : i32
    %scan3A_4 = arith.constant 1 : i32
    scf.for %scan3A_6 = %scan3A_1 to %scan3A_3 step %scan3A_4  : i32 {
      %mul3A_7 = arith.constant 32 : i32
      %mul3A_8 = arith.muli %scan3A_6, %mul3A_7 : i32
      %add3A_9 = arith.addi %add3A, %mul3A_8 : i32
      %lt3A = arith.constant 500 : i32
      %lt3A_10 = arith.cmpi slt, %add3A_9, %lt3A : i32
      %convert_element_type3A = arith.extui %lt3A_10 : i1 to i32
      %cond3A = arith.constant 0 : i32
      %cond3A_11 = arith.cmpi ne, %convert_element_type3A, %cond3A : i32
      scf.if %cond3A_11 {
        %mul3A_12 = arith.constant 320 : i32
        %mul3A_13 = arith.muli %add3A_9, %mul3A_12 : i32
        "tpu.region"() ({
          %run_scoped3A = tpu.sem_alloc : memref<!tpu.dma_semaphore, #tpu.memory_space<semaphore_mem>>
          %dma_start3A_62 = tpu.memref_slice %arg7[%mul3A_13] : memref<160000xi32, #tpu.memory_space<hbm>> -> memref<320xi32, #tpu.memory_space<hbm>>
          %dma_start3A_63 = tpu.memref_slice %arg7[%mul3A_13] : memref<160000xi32, #tpu.memory_space<hbm>> -> memref<320xi32, #tpu.memory_space<hbm>>
          tpu.enqueue_dma source(%dma_start3A_63 : memref<320xi32, #tpu.memory_space<hbm>>) target(%arg15 : memref<320xi32, #tpu.memory_space<vmem>>) target_semaphore(%run_scoped3A : memref<!tpu.dma_semaphore, #tpu.memory_space<semaphore_mem>>)
          %dma_wait3A_64 = tpu.memref_slice %arg7[%mul3A_13] : memref<160000xi32, #tpu.memory_space<hbm>> -> memref<320xi32, #tpu.memory_space<hbm>>
          %dma_wait3A_65 = tpu.memref_slice %arg7[%mul3A_13] : memref<160000xi32, #tpu.memory_space<hbm>> -> memref<320xi32, #tpu.memory_space<hbm>>
          tpu.wait_dma2 semaphore(%run_scoped3A : memref<!tpu.dma_semaphore, #tpu.memory_space<semaphore_mem>>) src(%dma_wait3A_65 : memref<320xi32, #tpu.memory_space<hbm>>) dst(%arg15 : memref<320xi32, #tpu.memory_space<vmem>>)
          tpu.yield
        }) : () -> ()
        "tpu.region"() ({
          %run_scoped3A = tpu.sem_alloc : memref<!tpu.dma_semaphore, #tpu.memory_space<semaphore_mem>>
          %dma_start3A_62 = tpu.memref_slice %arg4[%mul3A_13] : memref<160000xi32, #tpu.memory_space<hbm>> -> memref<320xi32, #tpu.memory_space<hbm>>
          %dma_start3A_63 = tpu.memref_slice %arg4[%mul3A_13] : memref<160000xi32, #tpu.memory_space<hbm>> -> memref<320xi32, #tpu.memory_space<hbm>>
          tpu.enqueue_dma source(%dma_start3A_63 : memref<320xi32, #tpu.memory_space<hbm>>) target(%arg12 : memref<320xi32, #tpu.memory_space<vmem>>) target_semaphore(%run_scoped3A : memref<!tpu.dma_semaphore, #tpu.memory_space<semaphore_mem>>)
          %dma_wait3A_64 = tpu.memref_slice %arg4[%mul3A_13] : memref<160000xi32, #tpu.memory_space<hbm>> -> memref<320xi32, #tpu.memory_space<hbm>>
          %dma_wait3A_65 = tpu.memref_slice %arg4[%mul3A_13] : memref<160000xi32, #tpu.memory_space<hbm>> -> memref<320xi32, #tpu.memory_space<hbm>>
          tpu.wait_dma2 semaphore(%run_scoped3A : memref<!tpu.dma_semaphore, #tpu.memory_space<semaphore_mem>>) src(%dma_wait3A_65 : memref<320xi32, #tpu.memory_space<hbm>>) dst(%arg12 : memref<320xi32, #tpu.memory_space<vmem>>)
          tpu.yield
        }) : () -> ()
        "tpu.region"() ({
          %run_scoped3A = tpu.sem_alloc : memref<!tpu.dma_semaphore, #tpu.memory_space<semaphore_mem>>
          %dma_start3A_62 = tpu.memref_slice %arg5[%mul3A_13] : memref<160000xi32, #tpu.memory_space<hbm>> -> memref<320xi32, #tpu.memory_space<hbm>>
          %dma_start3A_63 = tpu.memref_slice %arg5[%mul3A_13] : memref<160000xi32, #tpu.memory_space<hbm>> -> memref<320xi32, #tpu.memory_space<hbm>>
          tpu.enqueue_dma source(%dma_start3A_63 : memref<320xi32, #tpu.memory_space<hbm>>) target(%arg13 : memref<320xi32, #tpu.memory_space<vmem>>) target_semaphore(%run_scoped3A : memref<!tpu.dma_semaphore, #tpu.memory_space<semaphore_mem>>)
          %dma_wait3A_64 = tpu.memref_slice %arg5[%mul3A_13] : memref<160000xi32, #tpu.memory_space<hbm>> -> memref<320xi32, #tpu.memory_space<hbm>>
          %dma_wait3A_65 = tpu.memref_slice %arg5[%mul3A_13] : memref<160000xi32, #tpu.memory_space<hbm>> -> memref<320xi32, #tpu.memory_space<hbm>>
          tpu.wait_dma2 semaphore(%run_scoped3A : memref<!tpu.dma_semaphore, #tpu.memory_space<semaphore_mem>>) src(%dma_wait3A_65 : memref<320xi32, #tpu.memory_space<hbm>>) dst(%arg13 : memref<320xi32, #tpu.memory_space<vmem>>)
          tpu.yield
        }) : () -> ()
        "tpu.region"() ({
          %run_scoped3A = tpu.sem_alloc : memref<!tpu.dma_semaphore, #tpu.memory_space<semaphore_mem>>
          %dma_start3A_62 = tpu.memref_slice %arg6[%mul3A_13] : memref<160000xi32, #tpu.memory_space<hbm>> -> memref<320xi32, #tpu.memory_space<hbm>>
          %dma_start3A_63 = tpu.memref_slice %arg6[%mul3A_13] : memref<160000xi32, #tpu.memory_space<hbm>> -> memref<320xi32, #tpu.memory_space<hbm>>
          tpu.enqueue_dma source(%dma_start3A_63 : memref<320xi32, #tpu.memory_space<hbm>>) target(%arg14 : memref<320xi32, #tpu.memory_space<vmem>>) target_semaphore(%run_scoped3A : memref<!tpu.dma_semaphore, #tpu.memory_space<semaphore_mem>>)
          %dma_wait3A_64 = tpu.memref_slice %arg6[%mul3A_13] : memref<160000xi32, #tpu.memory_space<hbm>> -> memref<320xi32, #tpu.memory_space<hbm>>
          %dma_wait3A_65 = tpu.memref_slice %arg6[%mul3A_13] : memref<160000xi32, #tpu.memory_space<hbm>> -> memref<320xi32, #tpu.memory_space<hbm>>
          tpu.wait_dma2 semaphore(%run_scoped3A : memref<!tpu.dma_semaphore, #tpu.memory_space<semaphore_mem>>) src(%dma_wait3A_65 : memref<320xi32, #tpu.memory_space<hbm>>) dst(%arg14 : memref<320xi32, #tpu.memory_space<vmem>>)
          tpu.yield
        }) : () -> ()
        %dma_start3A = arith.constant 0 : i32
        %dma_start3A_14 = arith.constant 0 : i32
        %dma_start3A_15 = tpu.memref_slice %arg2[%dma_start3A, %dma_start3A_14] : memref<10000x128xf32, #tpu.memory_space<hbm>> -> memref<10000x128xf32, #tpu.memory_space<hbm>>
        tpu.enqueue_indirect_dma source(%dma_start3A_15 : memref<10000x128xf32, #tpu.memory_space<hbm>>) target(%arg16 : memref<320x128xf32, #tpu.memory_space<vmem>>) offsets(%arg12 : memref<320xi32, #tpu.memory_space<vmem>>) semaphore(%arg18 : memref<!tpu.dma_semaphore, #tpu.memory_space<semaphore_mem>>)
        %dma_start3A_16 = arith.constant 0 : i32
        %dma_start3A_17 = arith.constant 0 : i32
        %dma_start3A_18 = tpu.memref_slice %arg2[%dma_start3A_16, %dma_start3A_17] : memref<10000x128xf32, #tpu.memory_space<hbm>> -> memref<10000x128xf32, #tpu.memory_space<hbm>>
        tpu.enqueue_indirect_dma source(%dma_start3A_18 : memref<10000x128xf32, #tpu.memory_space<hbm>>) target(%arg17 : memref<320x128xf32, #tpu.memory_space<vmem>>) offsets(%arg13 : memref<320xi32, #tpu.memory_space<vmem>>) semaphore(%arg19 : memref<!tpu.dma_semaphore, #tpu.memory_space<semaphore_mem>>)
        %dma_wait3A = arith.constant 0 : i32
        %dma_wait3A_19 = arith.constant 0 : i32
        %dma_wait3A_20 = tpu.memref_slice %arg2[%dma_wait3A, %dma_wait3A_19] : memref<10000x128xf32, #tpu.memory_space<hbm>> -> memref<10000x128xf32, #tpu.memory_space<hbm>>
        tpu.wait_indirect_dma semaphore(%arg18 : memref<!tpu.dma_semaphore, #tpu.memory_space<semaphore_mem>>) src(%dma_wait3A_20 : memref<10000x128xf32, #tpu.memory_space<hbm>>) dst(%arg16 : memref<320x128xf32, #tpu.memory_space<vmem>>)
        %dma_start3A_21 = arith.constant 0 : i32
        %dma_start3A_22 = arith.constant 0 : i32
        %dma_start3A_23 = tpu.memref_slice %arg8[%dma_start3A_21, %dma_start3A_22] : memref<180224x128xf32, #tpu.memory_space<hbm>> -> memref<180224x128xf32, #tpu.memory_space<hbm>>
        tpu.enqueue_indirect_dma source(%arg16 : memref<320x128xf32, #tpu.memory_space<vmem>>) target(%dma_start3A_23 : memref<180224x128xf32, #tpu.memory_space<hbm>>) offsets(%arg15 : memref<320xi32, #tpu.memory_space<vmem>>) semaphore(%arg20 : memref<!tpu.dma_semaphore, #tpu.memory_space<semaphore_mem>>)
        %dma_wait3A_24 = arith.constant 0 : i32
        %dma_wait3A_25 = arith.constant 0 : i32
        %dma_wait3A_26 = tpu.memref_slice %arg2[%dma_wait3A_24, %dma_wait3A_25] : memref<10000x128xf32, #tpu.memory_space<hbm>> -> memref<10000x128xf32, #tpu.memory_space<hbm>>
        tpu.wait_indirect_dma semaphore(%arg19 : memref<!tpu.dma_semaphore, #tpu.memory_space<semaphore_mem>>) src(%dma_wait3A_26 : memref<10000x128xf32, #tpu.memory_space<hbm>>) dst(%arg17 : memref<320x128xf32, #tpu.memory_space<vmem>>)
        %dma_start3A_27 = arith.constant 0 : i32
        %dma_start3A_28 = arith.constant 0 : i32
        %dma_start3A_29 = tpu.memref_slice %arg9[%dma_start3A_27, %dma_start3A_28] : memref<180224x128xf32, #tpu.memory_space<hbm>> -> memref<180224x128xf32, #tpu.memory_space<hbm>>
        tpu.enqueue_indirect_dma source(%arg17 : memref<320x128xf32, #tpu.memory_space<vmem>>) target(%dma_start3A_29 : memref<180224x128xf32, #tpu.memory_space<hbm>>) offsets(%arg15 : memref<320xi32, #tpu.memory_space<vmem>>) semaphore(%arg21 : memref<!tpu.dma_semaphore, #tpu.memory_space<semaphore_mem>>)
        %dma_wait3A_30 = arith.constant 0 : i32
        %dma_wait3A_31 = arith.constant 0 : i32
        %dma_wait3A_32 = tpu.memref_slice %arg8[%dma_wait3A_30, %dma_wait3A_31] : memref<180224x128xf32, #tpu.memory_space<hbm>> -> memref<180224x128xf32, #tpu.memory_space<hbm>>
        tpu.wait_indirect_dma semaphore(%arg20 : memref<!tpu.dma_semaphore, #tpu.memory_space<semaphore_mem>>) src(%arg16 : memref<320x128xf32, #tpu.memory_space<vmem>>) dst(%dma_wait3A_32 : memref<180224x128xf32, #tpu.memory_space<hbm>>)
        %dma_start3A_33 = arith.constant 0 : i32
        %dma_start3A_34 = arith.constant 0 : i32
        %dma_start3A_35 = tpu.memref_slice %arg2[%dma_start3A_33, %dma_start3A_34] : memref<10000x128xf32, #tpu.memory_space<hbm>> -> memref<10000x128xf32, #tpu.memory_space<hbm>>
        tpu.enqueue_indirect_dma source(%dma_start3A_35 : memref<10000x128xf32, #tpu.memory_space<hbm>>) target(%arg16 : memref<320x128xf32, #tpu.memory_space<vmem>>) offsets(%arg14 : memref<320xi32, #tpu.memory_space<vmem>>) semaphore(%arg18 : memref<!tpu.dma_semaphore, #tpu.memory_space<semaphore_mem>>)
        %dma_wait3A_36 = arith.constant 0 : i32
        %dma_wait3A_37 = arith.constant 0 : i32
        %dma_wait3A_38 = tpu.memref_slice %arg9[%dma_wait3A_36, %dma_wait3A_37] : memref<180224x128xf32, #tpu.memory_space<hbm>> -> memref<180224x128xf32, #tpu.memory_space<hbm>>
        tpu.wait_indirect_dma semaphore(%arg21 : memref<!tpu.dma_semaphore, #tpu.memory_space<semaphore_mem>>) src(%arg17 : memref<320x128xf32, #tpu.memory_space<vmem>>) dst(%dma_wait3A_38 : memref<180224x128xf32, #tpu.memory_space<hbm>>)
        %dma_start3A_39 = arith.constant 0 : i32
        %dma_start3A_40 = tpu.memref_slice %arg3[%mul3A_13, %dma_start3A_39] : memref<160000x128xf32, #tpu.memory_space<hbm>> -> memref<320x128xf32, #tpu.memory_space<hbm>>
        %dma_start3A_41 = arith.constant 0 : i32
        %dma_start3A_42 = tpu.memref_slice %arg3[%mul3A_13, %dma_start3A_41] : memref<160000x128xf32, #tpu.memory_space<hbm>> -> memref<320x128xf32, #tpu.memory_space<hbm>>
        tpu.enqueue_dma source(%dma_start3A_42 : memref<320x128xf32, #tpu.memory_space<hbm>>) target(%arg17 : memref<320x128xf32, #tpu.memory_space<vmem>>) target_semaphore(%arg19 : memref<!tpu.dma_semaphore, #tpu.memory_space<semaphore_mem>>)
        %dma_wait3A_43 = arith.constant 0 : i32
        %dma_wait3A_44 = arith.constant 0 : i32
        %dma_wait3A_45 = tpu.memref_slice %arg2[%dma_wait3A_43, %dma_wait3A_44] : memref<10000x128xf32, #tpu.memory_space<hbm>> -> memref<10000x128xf32, #tpu.memory_space<hbm>>
        tpu.wait_indirect_dma semaphore(%arg18 : memref<!tpu.dma_semaphore, #tpu.memory_space<semaphore_mem>>) src(%dma_wait3A_45 : memref<10000x128xf32, #tpu.memory_space<hbm>>) dst(%arg16 : memref<320x128xf32, #tpu.memory_space<vmem>>)
        %dma_start3A_46 = arith.constant 0 : i32
        %dma_start3A_47 = arith.constant 0 : i32
        %dma_start3A_48 = tpu.memref_slice %arg10[%dma_start3A_46, %dma_start3A_47] : memref<180224x128xf32, #tpu.memory_space<hbm>> -> memref<180224x128xf32, #tpu.memory_space<hbm>>
        tpu.enqueue_indirect_dma source(%arg16 : memref<320x128xf32, #tpu.memory_space<vmem>>) target(%dma_start3A_48 : memref<180224x128xf32, #tpu.memory_space<hbm>>) offsets(%arg15 : memref<320xi32, #tpu.memory_space<vmem>>) semaphore(%arg20 : memref<!tpu.dma_semaphore, #tpu.memory_space<semaphore_mem>>)
        %dma_wait3A_49 = arith.constant 0 : i32
        %dma_wait3A_50 = tpu.memref_slice %arg3[%mul3A_13, %dma_wait3A_49] : memref<160000x128xf32, #tpu.memory_space<hbm>> -> memref<320x128xf32, #tpu.memory_space<hbm>>
        %dma_wait3A_51 = arith.constant 0 : i32
        %dma_wait3A_52 = tpu.memref_slice %arg3[%mul3A_13, %dma_wait3A_51] : memref<160000x128xf32, #tpu.memory_space<hbm>> -> memref<320x128xf32, #tpu.memory_space<hbm>>
        tpu.wait_dma2 semaphore(%arg19 : memref<!tpu.dma_semaphore, #tpu.memory_space<semaphore_mem>>) src(%dma_wait3A_52 : memref<320x128xf32, #tpu.memory_space<hbm>>) dst(%arg17 : memref<320x128xf32, #tpu.memory_space<vmem>>)
        %dma_start3A_53 = arith.constant 0 : i32
        %dma_start3A_54 = arith.constant 0 : i32
        %dma_start3A_55 = tpu.memref_slice %arg11[%dma_start3A_53, %dma_start3A_54] : memref<180224x128xf32, #tpu.memory_space<hbm>> -> memref<180224x128xf32, #tpu.memory_space<hbm>>
        tpu.enqueue_indirect_dma source(%arg17 : memref<320x128xf32, #tpu.memory_space<vmem>>) target(%dma_start3A_55 : memref<180224x128xf32, #tpu.memory_space<hbm>>) offsets(%arg15 : memref<320xi32, #tpu.memory_space<vmem>>) semaphore(%arg21 : memref<!tpu.dma_semaphore, #tpu.memory_space<semaphore_mem>>)
        %dma_wait3A_56 = arith.constant 0 : i32
        %dma_wait3A_57 = arith.constant 0 : i32
        %dma_wait3A_58 = tpu.memref_slice %arg10[%dma_wait3A_56, %dma_wait3A_57] : memref<180224x128xf32, #tpu.memory_space<hbm>> -> memref<180224x128xf32, #tpu.memory_space<hbm>>
        tpu.wait_indirect_dma semaphore(%arg20 : memref<!tpu.dma_semaphore, #tpu.memory_space<semaphore_mem>>) src(%arg16 : memref<320x128xf32, #tpu.memory_space<vmem>>) dst(%dma_wait3A_58 : memref<180224x128xf32, #tpu.memory_space<hbm>>)
        %dma_wait3A_59 = arith.constant 0 : i32
        %dma_wait3A_60 = arith.constant 0 : i32
        %dma_wait3A_61 = tpu.memref_slice %arg11[%dma_wait3A_59, %dma_wait3A_60] : memref<180224x128xf32, #tpu.memory_space<hbm>> -> memref<180224x128xf32, #tpu.memory_space<hbm>>
        tpu.wait_indirect_dma semaphore(%arg21 : memref<!tpu.dma_semaphore, #tpu.memory_space<semaphore_mem>>) src(%arg17 : memref<320x128xf32, #tpu.memory_space<vmem>>) dst(%dma_wait3A_61 : memref<180224x128xf32, #tpu.memory_space<hbm>>)
      } else {
      }
    }
    %scan3A_5 = arith.constant 16 : i32
    return
  }
}

module attributes {stable_mosaic.version = 14 : i64} {
  func.func @_l0_body(%arg0: i32, %arg1: memref<44xi32, #tpu.memory_space<smem>>, %arg2: memref<4xi32, #tpu.memory_space<smem>>, %arg3: memref<4xf32, #tpu.memory_space<smem>>, %arg4: memref<4096x128xf32, #tpu.memory_space<vmem>>, %arg5: memref<4096x128xf32, #tpu.memory_space<vmem>>, %arg6: memref<4096x128xf32, #tpu.memory_space<vmem>>, %arg7: memref<4096x128xf32, #tpu.memory_space<vmem>>, %arg8: memref<4x128x128xf32, #tpu.memory_space<vmem>>, %arg9: memref<4x128x128xf32, #tpu.memory_space<vmem>>, %arg10: memref<4x128x128xf32, #tpu.memory_space<vmem>>, %arg11: memref<4x128x128xf32, #tpu.memory_space<vmem>>, %arg12: memref<4x1x128xf32, #tpu.memory_space<vmem>>, %arg13: memref<4096x128xf32, #tpu.memory_space<vmem>>, %arg14: memref<4x1x128xf32, #tpu.memory_space<vmem>>, %arg15: memref<4x1x128xf32, #tpu.memory_space<vmem>>) attributes {dimension_semantics = [#tpu.dimension_semantics<arbitrary>], iteration_bounds = array<i64: 44>, scalar_prefetch = 3 : i64, scratch_operands = 0 : i64, tpu.core_type = #tpu.core_type<tc>, window_params = [{transform_indices = @transform_0, window_bounds = array<i64: 4096, 128>}, {transform_indices = @transform_1, window_bounds = array<i64: 4096, 128>}, {transform_indices = @transform_2, window_bounds = array<i64: 4096, 128>}, {transform_indices = @transform_3, window_bounds = array<i64: 4096, 128>}, {pipeline_mode = #tpu.pipeline_mode<synchronous>, transform_indices = @transform_4, window_bounds = array<i64: 4, 128, 128>}, {pipeline_mode = #tpu.pipeline_mode<synchronous>, transform_indices = @transform_5, window_bounds = array<i64: 4, 128, 128>}, {pipeline_mode = #tpu.pipeline_mode<synchronous>, transform_indices = @transform_6, window_bounds = array<i64: 4, 128, 128>}, {pipeline_mode = #tpu.pipeline_mode<synchronous>, transform_indices = @transform_7, window_bounds = array<i64: 4, 128, 128>}, {pipeline_mode = #tpu.pipeline_mode<synchronous>, transform_indices = @transform_8, window_bounds = array<i64: 4, 1, 128>}, {transform_indices = @transform_9, window_bounds = array<i64: 4096, 128>}, {pipeline_mode = #tpu.pipeline_mode<synchronous>, transform_indices = @transform_10, window_bounds = array<i64: 4, 1, 128>}, {pipeline_mode = #tpu.pipeline_mode<synchronous>, transform_indices = @transform_11, window_bounds = array<i64: 4, 1, 128>}]} {
    %get3A = arith.index_cast %arg0 : i32 to index
    %get3A_0 = memref.load %arg1[%get3A] : memref<44xi32, #tpu.memory_space<smem>>
    %get3A_1 = arith.constant 0 : index
    %get3A_2 = arith.constant 0 : index
    %get3A_3 = vector.load %arg4[%get3A_1, %get3A_2] : memref<4096x128xf32, #tpu.memory_space<vmem>>, vector<4096x128xf32>
    %get3A_4 = arith.index_cast %get3A_0 : i32 to index
    %get3A_5 = arith.constant 0 : index
    %get3A_6 = arith.constant 0 : index
    %get3A_7 = vector.load %arg8[%get3A_4, %get3A_5, %get3A_6] : memref<4x128x128xf32, #tpu.memory_space<vmem>>, vector<1x128x128xf32>
    %get3A_8 = vector.shape_cast %get3A_7 : vector<1x128x128xf32> to vector<128x128xf32>
    %dot_general3A = arith.constant dense<0.000000e+00> : vector<4096x128xf32>
    %dot_general3A_9 = tpu.matmul %get3A_3, %get3A_8, %dot_general3A {dimension_numbers = #tpu.dot_dimension_numbers<[1], [0], [0], [1], [0, 0, 1, 1], [], []>, transpose_lhs_hint = false} : vector<4096x128xf32>, vector<128x128xf32>, vector<4096x128xf32> -> vector<4096x128xf32>
    %get3A_10 = arith.constant 0 : index
    %get3A_11 = arith.constant 0 : index
    %get3A_12 = vector.load %arg5[%get3A_10, %get3A_11] : memref<4096x128xf32, #tpu.memory_space<vmem>>, vector<4096x128xf32>
    %get3A_13 = arith.index_cast %get3A_0 : i32 to index
    %get3A_14 = arith.constant 0 : index
    %get3A_15 = arith.constant 0 : index
    %get3A_16 = vector.load %arg9[%get3A_13, %get3A_14, %get3A_15] : memref<4x128x128xf32, #tpu.memory_space<vmem>>, vector<1x128x128xf32>
    %get3A_17 = vector.shape_cast %get3A_16 : vector<1x128x128xf32> to vector<128x128xf32>
    %dot_general3A_18 = arith.constant dense<0.000000e+00> : vector<4096x128xf32>
    %dot_general3A_19 = tpu.matmul %get3A_12, %get3A_17, %dot_general3A_18 {dimension_numbers = #tpu.dot_dimension_numbers<[1], [0], [0], [1], [0, 0, 1, 1], [], []>, transpose_lhs_hint = false} : vector<4096x128xf32>, vector<128x128xf32>, vector<4096x128xf32> -> vector<4096x128xf32>
    %add3A = arith.addf %dot_general3A_9, %dot_general3A_19 : vector<4096x128xf32>
    %get3A_20 = arith.constant 0 : index
    %get3A_21 = arith.constant 0 : index
    %get3A_22 = vector.load %arg6[%get3A_20, %get3A_21] : memref<4096x128xf32, #tpu.memory_space<vmem>>, vector<4096x128xf32>
    %get3A_23 = arith.index_cast %get3A_0 : i32 to index
    %get3A_24 = arith.constant 0 : index
    %get3A_25 = arith.constant 0 : index
    %get3A_26 = vector.load %arg10[%get3A_23, %get3A_24, %get3A_25] : memref<4x128x128xf32, #tpu.memory_space<vmem>>, vector<1x128x128xf32>
    %get3A_27 = vector.shape_cast %get3A_26 : vector<1x128x128xf32> to vector<128x128xf32>
    %dot_general3A_28 = arith.constant dense<0.000000e+00> : vector<4096x128xf32>
    %dot_general3A_29 = tpu.matmul %get3A_22, %get3A_27, %dot_general3A_28 {dimension_numbers = #tpu.dot_dimension_numbers<[1], [0], [0], [1], [0, 0, 1, 1], [], []>, transpose_lhs_hint = false} : vector<4096x128xf32>, vector<128x128xf32>, vector<4096x128xf32> -> vector<4096x128xf32>
    %add3A_30 = arith.addf %add3A, %dot_general3A_29 : vector<4096x128xf32>
    %get3A_31 = arith.constant 0 : index
    %get3A_32 = arith.constant 0 : index
    %get3A_33 = vector.load %arg7[%get3A_31, %get3A_32] : memref<4096x128xf32, #tpu.memory_space<vmem>>, vector<4096x128xf32>
    %get3A_34 = arith.index_cast %get3A_0 : i32 to index
    %get3A_35 = arith.constant 0 : index
    %get3A_36 = arith.constant 0 : index
    %get3A_37 = vector.load %arg11[%get3A_34, %get3A_35, %get3A_36] : memref<4x128x128xf32, #tpu.memory_space<vmem>>, vector<1x128x128xf32>
    %get3A_38 = vector.shape_cast %get3A_37 : vector<1x128x128xf32> to vector<128x128xf32>
    %dot_general3A_39 = arith.constant dense<0.000000e+00> : vector<4096x128xf32>
    %dot_general3A_40 = tpu.matmul %get3A_33, %get3A_38, %dot_general3A_39 {dimension_numbers = #tpu.dot_dimension_numbers<[1], [0], [0], [1], [0, 0, 1, 1], [], []>, transpose_lhs_hint = false} : vector<4096x128xf32>, vector<128x128xf32>, vector<4096x128xf32> -> vector<4096x128xf32>
    %add3A_41 = arith.addf %add3A_30, %dot_general3A_40 : vector<4096x128xf32>
    %get3A_42 = arith.index_cast %get3A_0 : i32 to index
    %get3A_43 = arith.constant 0 : index
    %get3A_44 = arith.constant 0 : index
    %get3A_45 = vector.load %arg12[%get3A_42, %get3A_43, %get3A_44] : memref<4x1x128xf32, #tpu.memory_space<vmem>>, vector<1x1x128xf32>
    %get3A_46 = vector.shape_cast %get3A_45 : vector<1x1x128xf32> to vector<1x128xf32>
    %add3A_47 = vector.broadcast %get3A_46 : vector<1x128xf32> to vector<4096x128xf32>
    %add3A_48 = arith.addf %add3A_41, %add3A_47 : vector<4096x128xf32>
    %swap3A = arith.constant 0 : index
    %swap3A_49 = arith.constant 0 : index
    %swap3A_50 = vector.load %arg13[%swap3A, %swap3A_49] : memref<4096x128xf32, #tpu.memory_space<vmem>>, vector<4096x128xf32>
    tpu.vector_store %arg13[%swap3A, %swap3A_49], %add3A_48 {strides = array<i32>} : memref<4096x128xf32, #tpu.memory_space<vmem>>, vector<4096x128xf32>,
    %mul3A = arith.constant 4096 : i32
    %mul3A_51 = arith.muli %arg0, %mul3A : i32
    %iota3A = tpu.iota {dimensions = array<i32: 0>} : vector<4096x1xi32>
    %add3A_52 = vector.broadcast %mul3A_51 : i32 to vector<4096x1xi32>
    %add3A_53 = arith.addi %add3A_52, %iota3A : vector<4096x1xi32>
    %get3A_54 = arith.index_cast %get3A_0 : i32 to index
    %get3A_55 = memref.load %arg2[%get3A_54] : memref<4xi32, #tpu.memory_space<smem>>
    %lt3A = vector.broadcast %get3A_55 : i32 to vector<4096x1xi32>
    %lt3A_56 = arith.cmpi slt, %add3A_53, %lt3A : vector<4096x1xi32>
    %eq3A = arith.constant 0 : i32
    %eq3A_57 = arith.cmpi eq, %arg0, %eq3A : i32
    %convert_element_type3A = arith.extui %eq3A_57 : i1 to i32
    %cond3A = arith.constant 0 : i32
    %cond3A_58 = arith.cmpi ne, %convert_element_type3A, %cond3A : i32
    scf.if %cond3A_58 {
      %broadcast_in_dim3A_96 = arith.constant 0.000000e+00 : f32
      %broadcast_in_dim3A_97 = vector.broadcast %broadcast_in_dim3A_96 : f32 to vector<4x1x128xf32>
      %swap3A_98 = arith.constant 0 : index
      %swap3A_99 = arith.constant 0 : index
      %swap3A_100 = arith.constant 0 : index
      %swap3A_101 = vector.load %arg14[%swap3A_98, %swap3A_99, %swap3A_100] : memref<4x1x128xf32, #tpu.memory_space<vmem>>, vector<4x1x128xf32>
      tpu.vector_store %arg14[%swap3A_98, %swap3A_99, %swap3A_100], %broadcast_in_dim3A_97 {strides = array<i32>} : memref<4x1x128xf32, #tpu.memory_space<vmem>>, vector<4x1x128xf32>,
      %broadcast_in_dim3A_102 = arith.constant 0.000000e+00 : f32
      %broadcast_in_dim3A_103 = vector.broadcast %broadcast_in_dim3A_102 : f32 to vector<4x1x128xf32>
      %swap3A_104 = arith.constant 0 : index
      %swap3A_105 = arith.constant 0 : index
      %swap3A_106 = arith.constant 0 : index
      %swap3A_107 = vector.load %arg15[%swap3A_104, %swap3A_105, %swap3A_106] : memref<4x1x128xf32, #tpu.memory_space<vmem>>, vector<4x1x128xf32>
      tpu.vector_store %arg15[%swap3A_104, %swap3A_105, %swap3A_106], %broadcast_in_dim3A_103 {strides = array<i32>} : memref<4x1x128xf32, #tpu.memory_space<vmem>>, vector<4x1x128xf32>,
    } else {
    }
    %get3A_59 = arith.index_cast %get3A_0 : i32 to index
    %get3A_60 = arith.constant 0 : index
    %get3A_61 = arith.constant 0 : index
    %get3A_62 = vector.load %arg14[%get3A_59, %get3A_60, %get3A_61] : memref<4x1x128xf32, #tpu.memory_space<vmem>>, vector<1x1x128xf32>
    %get3A_63 = vector.shape_cast %get3A_62 : vector<1x1x128xf32> to vector<1x128xf32>
    %jit3A = arith.constant 0.000000e+00 : f32
    %broadcast_in_dim3A = vector.shape_cast %lt3A_56 : vector<4096x1xi1> to vector<4096x1xi1>
    %broadcast_in_dim3A_64 = vector.broadcast %broadcast_in_dim3A : vector<4096x1xi1> to vector<4096x128xi1>
    %broadcast_in_dim3A_65 = vector.broadcast %jit3A : f32 to vector<4096x128xf32>
    %select_n3A = arith.select %broadcast_in_dim3A_64, %add3A_48, %broadcast_in_dim3A_65 : vector<4096x128xi1>, vector<4096x128xf32>
    %reduce_sum3A = arith.constant dense<0.000000e+00> : vector<128xf32>
    %reduce_sum3A_66 = vector.multi_reduction <add>, %select_n3A, %reduce_sum3A [0] : vector<4096x128xf32> to vector<128xf32>
    %broadcast_in_dim3A_67 = vector.shape_cast %reduce_sum3A_66 : vector<128xf32> to vector<1x128xf32>
    %add3A_68 = arith.addf %get3A_63, %broadcast_in_dim3A_67 : vector<1x128xf32>
    %swap3A_69 = arith.index_cast %get3A_0 : i32 to index
    %swap3A_70 = arith.constant 0 : index
    %swap3A_71 = arith.constant 0 : index
    %swap3A_72 = vector.load %arg14[%swap3A_69, %swap3A_70, %swap3A_71] : memref<4x1x128xf32, #tpu.memory_space<vmem>>, vector<1x1x128xf32>
    %swap3A_73 = vector.shape_cast %swap3A_72 : vector<1x1x128xf32> to vector<1x128xf32>
    %swap3A_74 = vector.shape_cast %add3A_68 : vector<1x128xf32> to vector<1x1x128xf32>
    tpu.vector_store %arg14[%swap3A_69, %swap3A_70, %swap3A_71], %swap3A_74 {strides = array<i32>} : memref<4x1x128xf32, #tpu.memory_space<vmem>>, vector<1x1x128xf32>,
    %get3A_75 = arith.index_cast %get3A_0 : i32 to index
    %get3A_76 = arith.constant 0 : index
    %get3A_77 = arith.constant 0 : index
    %get3A_78 = vector.load %arg15[%get3A_75, %get3A_76, %get3A_77] : memref<4x1x128xf32, #tpu.memory_space<vmem>>, vector<1x1x128xf32>
    %get3A_79 = vector.shape_cast %get3A_78 : vector<1x1x128xf32> to vector<1x128xf32>
    %mul3A_80 = arith.mulf %add3A_48, %add3A_48 : vector<4096x128xf32>
    %jit3A_81 = arith.constant 0.000000e+00 : f32
    %broadcast_in_dim3A_82 = vector.shape_cast %lt3A_56 : vector<4096x1xi1> to vector<4096x1xi1>
    %broadcast_in_dim3A_83 = vector.broadcast %broadcast_in_dim3A_82 : vector<4096x1xi1> to vector<4096x128xi1>
    %broadcast_in_dim3A_84 = vector.broadcast %jit3A_81 : f32 to vector<4096x128xf32>
    %select_n3A_85 = arith.select %broadcast_in_dim3A_83, %mul3A_80, %broadcast_in_dim3A_84 : vector<4096x128xi1>, vector<4096x128xf32>
    %reduce_sum3A_86 = arith.constant dense<0.000000e+00> : vector<128xf32>
    %reduce_sum3A_87 = vector.multi_reduction <add>, %select_n3A_85, %reduce_sum3A_86 [0] : vector<4096x128xf32> to vector<128xf32>
    %broadcast_in_dim3A_88 = vector.shape_cast %reduce_sum3A_87 : vector<128xf32> to vector<1x128xf32>
    %add3A_89 = arith.addf %get3A_79, %broadcast_in_dim3A_88 : vector<1x128xf32>
    %swap3A_90 = arith.index_cast %get3A_0 : i32 to index
    %swap3A_91 = arith.constant 0 : index
    %swap3A_92 = arith.constant 0 : index
    %swap3A_93 = vector.load %arg15[%swap3A_90, %swap3A_91, %swap3A_92] : memref<4x1x128xf32, #tpu.memory_space<vmem>>, vector<1x1x128xf32>
    %swap3A_94 = vector.shape_cast %swap3A_93 : vector<1x1x128xf32> to vector<1x128xf32>
    %swap3A_95 = vector.shape_cast %add3A_89 : vector<1x128xf32> to vector<1x1x128xf32>
    tpu.vector_store %arg15[%swap3A_90, %swap3A_91, %swap3A_92], %swap3A_95 {strides = array<i32>} : memref<4x1x128xf32, #tpu.memory_space<vmem>>, vector<1x1x128xf32>,
    return
  }
  func.func @transform_0(%arg0: i32, %arg1: memref<44xi32, #tpu.memory_space<smem>>, %arg2: memref<4xi32, #tpu.memory_space<smem>>, %arg3: memref<4xf32, #tpu.memory_space<smem>>) -> (i32, i32) {
    %c0_i32 = arith.constant 0 : i32
    %c0_i32_0 = arith.constant 0 : i32
    return %arg0, %c0_i32 : i32, i32
  }
  func.func @transform_1(%arg0: i32, %arg1: memref<44xi32, #tpu.memory_space<smem>>, %arg2: memref<4xi32, #tpu.memory_space<smem>>, %arg3: memref<4xf32, #tpu.memory_space<smem>>) -> (i32, i32) {
    %c0_i32 = arith.constant 0 : i32
    %c0_i32_0 = arith.constant 0 : i32
    return %arg0, %c0_i32 : i32, i32
  }
  func.func @transform_2(%arg0: i32, %arg1: memref<44xi32, #tpu.memory_space<smem>>, %arg2: memref<4xi32, #tpu.memory_space<smem>>, %arg3: memref<4xf32, #tpu.memory_space<smem>>) -> (i32, i32) {
    %c0_i32 = arith.constant 0 : i32
    %c0_i32_0 = arith.constant 0 : i32
    return %arg0, %c0_i32 : i32, i32
  }
  func.func @transform_3(%arg0: i32, %arg1: memref<44xi32, #tpu.memory_space<smem>>, %arg2: memref<4xi32, #tpu.memory_space<smem>>, %arg3: memref<4xf32, #tpu.memory_space<smem>>) -> (i32, i32) {
    %c0_i32 = arith.constant 0 : i32
    %c0_i32_0 = arith.constant 0 : i32
    return %arg0, %c0_i32 : i32, i32
  }
  func.func @transform_4(%arg0: i32, %arg1: memref<44xi32, #tpu.memory_space<smem>>, %arg2: memref<4xi32, #tpu.memory_space<smem>>, %arg3: memref<4xf32, #tpu.memory_space<smem>>) -> (i32, i32, i32) {
    %c0_i32 = arith.constant 0 : i32
    %c0_i32_0 = arith.constant 0 : i32
    %c0_i32_1 = arith.constant 0 : i32
    %c0_i32_2 = arith.constant 0 : i32
    return %c0_i32, %c0_i32_0, %c0_i32_1 : i32, i32, i32
  }
  func.func @transform_5(%arg0: i32, %arg1: memref<44xi32, #tpu.memory_space<smem>>, %arg2: memref<4xi32, #tpu.memory_space<smem>>, %arg3: memref<4xf32, #tpu.memory_space<smem>>) -> (i32, i32, i32) {
    %c0_i32 = arith.constant 0 : i32
    %c0_i32_0 = arith.constant 0 : i32
    %c0_i32_1 = arith.constant 0 : i32
    %c0_i32_2 = arith.constant 0 : i32
    return %c0_i32, %c0_i32_0, %c0_i32_1 : i32, i32, i32
  }
  func.func @transform_6(%arg0: i32, %arg1: memref<44xi32, #tpu.memory_space<smem>>, %arg2: memref<4xi32, #tpu.memory_space<smem>>, %arg3: memref<4xf32, #tpu.memory_space<smem>>) -> (i32, i32, i32) {
    %c0_i32 = arith.constant 0 : i32
    %c0_i32_0 = arith.constant 0 : i32
    %c0_i32_1 = arith.constant 0 : i32
    %c0_i32_2 = arith.constant 0 : i32
    return %c0_i32, %c0_i32_0, %c0_i32_1 : i32, i32, i32
  }
  func.func @transform_7(%arg0: i32, %arg1: memref<44xi32, #tpu.memory_space<smem>>, %arg2: memref<4xi32, #tpu.memory_space<smem>>, %arg3: memref<4xf32, #tpu.memory_space<smem>>) -> (i32, i32, i32) {
    %c0_i32 = arith.constant 0 : i32
    %c0_i32_0 = arith.constant 0 : i32
    %c0_i32_1 = arith.constant 0 : i32
    %c0_i32_2 = arith.constant 0 : i32
    return %c0_i32, %c0_i32_0, %c0_i32_1 : i32, i32, i32
  }
  func.func @transform_8(%arg0: i32, %arg1: memref<44xi32, #tpu.memory_space<smem>>, %arg2: memref<4xi32, #tpu.memory_space<smem>>, %arg3: memref<4xf32, #tpu.memory_space<smem>>) -> (i32, i32, i32) {
    %c0_i32 = arith.constant 0 : i32
    %c0_i32_0 = arith.constant 0 : i32
    %c0_i32_1 = arith.constant 0 : i32
    %c0_i32_2 = arith.constant 0 : i32
    return %c0_i32, %c0_i32_0, %c0_i32_1 : i32, i32, i32
  }
  func.func @transform_9(%arg0: i32, %arg1: memref<44xi32, #tpu.memory_space<smem>>, %arg2: memref<4xi32, #tpu.memory_space<smem>>, %arg3: memref<4xf32, #tpu.memory_space<smem>>) -> (i32, i32) {
    %c0_i32 = arith.constant 0 : i32
    %c0_i32_0 = arith.constant 0 : i32
    return %arg0, %c0_i32 : i32, i32
  }
  func.func @transform_10(%arg0: i32, %arg1: memref<44xi32, #tpu.memory_space<smem>>, %arg2: memref<4xi32, #tpu.memory_space<smem>>, %arg3: memref<4xf32, #tpu.memory_space<smem>>) -> (i32, i32, i32) {
    %c0_i32 = arith.constant 0 : i32
    %c0_i32_0 = arith.constant 0 : i32
    %c0_i32_1 = arith.constant 0 : i32
    %c0_i32_2 = arith.constant 0 : i32
    return %c0_i32, %c0_i32_0, %c0_i32_1 : i32, i32, i32
  }
  func.func @transform_11(%arg0: i32, %arg1: memref<44xi32, #tpu.memory_space<smem>>, %arg2: memref<4xi32, #tpu.memory_space<smem>>, %arg3: memref<4xf32, #tpu.memory_space<smem>>) -> (i32, i32, i32) {
    %c0_i32 = arith.constant 0 : i32
    %c0_i32_0 = arith.constant 0 : i32
    %c0_i32_1 = arith.constant 0 : i32
    %c0_i32_2 = arith.constant 0 : i32
    return %c0_i32, %c0_i32_0, %c0_i32_1 : i32, i32, i32
  }
}

module attributes {stable_mosaic.version = 14 : i64} {
  func.func @_mid_body(%arg0: i32, %arg1: memref<44xi32, #tpu.memory_space<smem>>, %arg2: memref<4xi32, #tpu.memory_space<smem>>, %arg3: memref<4xf32, #tpu.memory_space<smem>>, %arg4: memref<4096x128xf32, #tpu.memory_space<vmem>>, %arg5: memref<4x1x128xf32, #tpu.memory_space<vmem>>, %arg6: memref<4x1x128xf32, #tpu.memory_space<vmem>>, %arg7: memref<4x128x128xf32, #tpu.memory_space<vmem>>, %arg8: memref<4x1x128xf32, #tpu.memory_space<vmem>>, %arg9: memref<4x1x128xf32, #tpu.memory_space<vmem>>, %arg10: memref<4x1x128xf32, #tpu.memory_space<vmem>>, %arg11: memref<4096x128xf32, #tpu.memory_space<vmem>>, %arg12: memref<4x1x128xf32, #tpu.memory_space<vmem>>, %arg13: memref<4x1x128xf32, #tpu.memory_space<vmem>>) attributes {dimension_semantics = [#tpu.dimension_semantics<arbitrary>], iteration_bounds = array<i64: 44>, scalar_prefetch = 3 : i64, scratch_operands = 0 : i64, tpu.core_type = #tpu.core_type<tc>, window_params = [{transform_indices = @transform_0, window_bounds = array<i64: 4096, 128>}, {pipeline_mode = #tpu.pipeline_mode<synchronous>, transform_indices = @transform_1, window_bounds = array<i64: 4, 1, 128>}, {pipeline_mode = #tpu.pipeline_mode<synchronous>, transform_indices = @transform_2, window_bounds = array<i64: 4, 1, 128>}, {pipeline_mode = #tpu.pipeline_mode<synchronous>, transform_indices = @transform_3, window_bounds = array<i64: 4, 128, 128>}, {pipeline_mode = #tpu.pipeline_mode<synchronous>, transform_indices = @transform_4, window_bounds = array<i64: 4, 1, 128>}, {pipeline_mode = #tpu.pipeline_mode<synchronous>, transform_indices = @transform_5, window_bounds = array<i64: 4, 1, 128>}, {pipeline_mode = #tpu.pipeline_mode<synchronous>, transform_indices = @transform_6, window_bounds = array<i64: 4, 1, 128>}, {transform_indices = @transform_7, window_bounds = array<i64: 4096, 128>}, {pipeline_mode = #tpu.pipeline_mode<synchronous>, transform_indices = @transform_8, window_bounds = array<i64: 4, 1, 128>}, {pipeline_mode = #tpu.pipeline_mode<synchronous>, transform_indices = @transform_9, window_bounds = array<i64: 4, 1, 128>}]} {
    %get3A = arith.index_cast %arg0 : i32 to index
    %get3A_0 = memref.load %arg1[%get3A] : memref<44xi32, #tpu.memory_space<smem>>
    %get3A_1 = arith.index_cast %get3A_0 : i32 to index
    %get3A_2 = memref.load %arg3[%get3A_1] : memref<4xf32, #tpu.memory_space<smem>>
    %get3A_3 = arith.index_cast %get3A_0 : i32 to index
    %get3A_4 = arith.constant 0 : index
    %get3A_5 = arith.constant 0 : index
    %get3A_6 = vector.load %arg5[%get3A_3, %get3A_4, %get3A_5] : memref<4x1x128xf32, #tpu.memory_space<vmem>>, vector<1x1x128xf32>
    %get3A_7 = vector.shape_cast %get3A_6 : vector<1x1x128xf32> to vector<1x128xf32>
    %div3A = vector.broadcast %get3A_2 : f32 to vector<1x128xf32>
    %div3A_8 = arith.divf %get3A_7, %div3A : vector<1x128xf32>
    %get3A_9 = arith.index_cast %get3A_0 : i32 to index
    %get3A_10 = arith.constant 0 : index
    %get3A_11 = arith.constant 0 : index
    %get3A_12 = vector.load %arg6[%get3A_9, %get3A_10, %get3A_11] : memref<4x1x128xf32, #tpu.memory_space<vmem>>, vector<1x1x128xf32>
    %get3A_13 = vector.shape_cast %get3A_12 : vector<1x1x128xf32> to vector<1x128xf32>
    %div3A_14 = vector.broadcast %get3A_2 : f32 to vector<1x128xf32>
    %div3A_15 = arith.divf %get3A_13, %div3A_14 : vector<1x128xf32>
    %mul3A = arith.mulf %div3A_8, %div3A_8 : vector<1x128xf32>
    %sub3A = arith.subf %div3A_15, %mul3A : vector<1x128xf32>
    %get3A_16 = arith.constant 0 : index
    %get3A_17 = arith.constant 0 : index
    %get3A_18 = vector.load %arg4[%get3A_16, %get3A_17] : memref<4096x128xf32, #tpu.memory_space<vmem>>, vector<4096x128xf32>
    %sub3A_19 = vector.broadcast %div3A_8 : vector<1x128xf32> to vector<4096x128xf32>
    %sub3A_20 = arith.subf %get3A_18, %sub3A_19 : vector<4096x128xf32>
    %add3A = arith.constant 9.99999974E-6 : f32
    %add3A_21 = vector.broadcast %add3A : f32 to vector<1x128xf32>
    %add3A_22 = arith.addf %sub3A, %add3A_21 : vector<1x128xf32>
    %rsqrt3A = math.rsqrt %add3A_22 : vector<1x128xf32>
    %mul3A_23 = vector.broadcast %rsqrt3A : vector<1x128xf32> to vector<4096x128xf32>
    %mul3A_24 = arith.mulf %sub3A_20, %mul3A_23 : vector<4096x128xf32>
    %get3A_25 = arith.index_cast %get3A_0 : i32 to index
    %get3A_26 = arith.constant 0 : index
    %get3A_27 = arith.constant 0 : index
    %get3A_28 = vector.load %arg9[%get3A_25, %get3A_26, %get3A_27] : memref<4x1x128xf32, #tpu.memory_space<vmem>>, vector<1x1x128xf32>
    %get3A_29 = vector.shape_cast %get3A_28 : vector<1x1x128xf32> to vector<1x128xf32>
    %mul3A_30 = vector.broadcast %get3A_29 : vector<1x128xf32> to vector<4096x128xf32>
    %mul3A_31 = arith.mulf %mul3A_24, %mul3A_30 : vector<4096x128xf32>
    %get3A_32 = arith.index_cast %get3A_0 : i32 to index
    %get3A_33 = arith.constant 0 : index
    %get3A_34 = arith.constant 0 : index
    %get3A_35 = vector.load %arg10[%get3A_32, %get3A_33, %get3A_34] : memref<4x1x128xf32, #tpu.memory_space<vmem>>, vector<1x1x128xf32>
    %get3A_36 = vector.shape_cast %get3A_35 : vector<1x1x128xf32> to vector<1x128xf32>
    %add3A_37 = vector.broadcast %get3A_36 : vector<1x128xf32> to vector<4096x128xf32>
    %add3A_38 = arith.addf %mul3A_31, %add3A_37 : vector<4096x128xf32>
    %max3A = arith.constant 0.000000e+00 : f32
    %max3A_39 = vector.broadcast %max3A : f32 to vector<4096x128xf32>
    %max3A_40 = arith.maximumf %add3A_38, %max3A_39 : vector<4096x128xf32>
    %get3A_41 = arith.index_cast %get3A_0 : i32 to index
    %get3A_42 = arith.constant 0 : index
    %get3A_43 = arith.constant 0 : index
    %get3A_44 = vector.load %arg7[%get3A_41, %get3A_42, %get3A_43] : memref<4x128x128xf32, #tpu.memory_space<vmem>>, vector<1x128x128xf32>
    %get3A_45 = vector.shape_cast %get3A_44 : vector<1x128x128xf32> to vector<128x128xf32>
    %dot_general3A = arith.constant dense<0.000000e+00> : vector<4096x128xf32>
    %dot_general3A_46 = tpu.matmul %max3A_40, %get3A_45, %dot_general3A {dimension_numbers = #tpu.dot_dimension_numbers<[1], [0], [0], [1], [0, 0, 1, 1], [], []>, transpose_lhs_hint = false} : vector<4096x128xf32>, vector<128x128xf32>, vector<4096x128xf32> -> vector<4096x128xf32>
    %get3A_47 = arith.index_cast %get3A_0 : i32 to index
    %get3A_48 = arith.constant 0 : index
    %get3A_49 = arith.constant 0 : index
    %get3A_50 = vector.load %arg8[%get3A_47, %get3A_48, %get3A_49] : memref<4x1x128xf32, #tpu.memory_space<vmem>>, vector<1x1x128xf32>
    %get3A_51 = vector.shape_cast %get3A_50 : vector<1x1x128xf32> to vector<1x128xf32>
    %add3A_52 = vector.broadcast %get3A_51 : vector<1x128xf32> to vector<4096x128xf32>
    %add3A_53 = arith.addf %dot_general3A_46, %add3A_52 : vector<4096x128xf32>
    %swap3A = arith.constant 0 : index
    %swap3A_54 = arith.constant 0 : index
    %swap3A_55 = vector.load %arg11[%swap3A, %swap3A_54] : memref<4096x128xf32, #tpu.memory_space<vmem>>, vector<4096x128xf32>
    tpu.vector_store %arg11[%swap3A, %swap3A_54], %add3A_53 {strides = array<i32>} : memref<4096x128xf32, #tpu.memory_space<vmem>>, vector<4096x128xf32>,
    %mul3A_56 = arith.constant 4096 : i32
    %mul3A_57 = arith.muli %arg0, %mul3A_56 : i32
    %iota3A = tpu.iota {dimensions = array<i32: 0>} : vector<4096x1xi32>
    %add3A_58 = vector.broadcast %mul3A_57 : i32 to vector<4096x1xi32>
    %add3A_59 = arith.addi %add3A_58, %iota3A : vector<4096x1xi32>
    %get3A_60 = arith.index_cast %get3A_0 : i32 to index
    %get3A_61 = memref.load %arg2[%get3A_60] : memref<4xi32, #tpu.memory_space<smem>>
    %lt3A = vector.broadcast %get3A_61 : i32 to vector<4096x1xi32>
    %lt3A_62 = arith.cmpi slt, %add3A_59, %lt3A : vector<4096x1xi32>
    %eq3A = arith.constant 0 : i32
    %eq3A_63 = arith.cmpi eq, %arg0, %eq3A : i32
    %convert_element_type3A = arith.extui %eq3A_63 : i1 to i32
    %cond3A = arith.constant 0 : i32
    %cond3A_64 = arith.cmpi ne, %convert_element_type3A, %cond3A : i32
    scf.if %cond3A_64 {
      %broadcast_in_dim3A_102 = arith.constant 0.000000e+00 : f32
      %broadcast_in_dim3A_103 = vector.broadcast %broadcast_in_dim3A_102 : f32 to vector<4x1x128xf32>
      %swap3A_104 = arith.constant 0 : index
      %swap3A_105 = arith.constant 0 : index
      %swap3A_106 = arith.constant 0 : index
      %swap3A_107 = vector.load %arg12[%swap3A_104, %swap3A_105, %swap3A_106] : memref<4x1x128xf32, #tpu.memory_space<vmem>>, vector<4x1x128xf32>
      tpu.vector_store %arg12[%swap3A_104, %swap3A_105, %swap3A_106], %broadcast_in_dim3A_103 {strides = array<i32>} : memref<4x1x128xf32, #tpu.memory_space<vmem>>, vector<4x1x128xf32>,
      %broadcast_in_dim3A_108 = arith.constant 0.000000e+00 : f32
      %broadcast_in_dim3A_109 = vector.broadcast %broadcast_in_dim3A_108 : f32 to vector<4x1x128xf32>
      %swap3A_110 = arith.constant 0 : index
      %swap3A_111 = arith.constant 0 : index
      %swap3A_112 = arith.constant 0 : index
      %swap3A_113 = vector.load %arg13[%swap3A_110, %swap3A_111, %swap3A_112] : memref<4x1x128xf32, #tpu.memory_space<vmem>>, vector<4x1x128xf32>
      tpu.vector_store %arg13[%swap3A_110, %swap3A_111, %swap3A_112], %broadcast_in_dim3A_109 {strides = array<i32>} : memref<4x1x128xf32, #tpu.memory_space<vmem>>, vector<4x1x128xf32>,
    } else {
    }
    %get3A_65 = arith.index_cast %get3A_0 : i32 to index
    %get3A_66 = arith.constant 0 : index
    %get3A_67 = arith.constant 0 : index
    %get3A_68 = vector.load %arg12[%get3A_65, %get3A_66, %get3A_67] : memref<4x1x128xf32, #tpu.memory_space<vmem>>, vector<1x1x128xf32>
    %get3A_69 = vector.shape_cast %get3A_68 : vector<1x1x128xf32> to vector<1x128xf32>
    %jit3A = arith.constant 0.000000e+00 : f32
    %broadcast_in_dim3A = vector.shape_cast %lt3A_62 : vector<4096x1xi1> to vector<4096x1xi1>
    %broadcast_in_dim3A_70 = vector.broadcast %broadcast_in_dim3A : vector<4096x1xi1> to vector<4096x128xi1>
    %broadcast_in_dim3A_71 = vector.broadcast %jit3A : f32 to vector<4096x128xf32>
    %select_n3A = arith.select %broadcast_in_dim3A_70, %add3A_53, %broadcast_in_dim3A_71 : vector<4096x128xi1>, vector<4096x128xf32>
    %reduce_sum3A = arith.constant dense<0.000000e+00> : vector<128xf32>
    %reduce_sum3A_72 = vector.multi_reduction <add>, %select_n3A, %reduce_sum3A [0] : vector<4096x128xf32> to vector<128xf32>
    %broadcast_in_dim3A_73 = vector.shape_cast %reduce_sum3A_72 : vector<128xf32> to vector<1x128xf32>
    %add3A_74 = arith.addf %get3A_69, %broadcast_in_dim3A_73 : vector<1x128xf32>
    %swap3A_75 = arith.index_cast %get3A_0 : i32 to index
    %swap3A_76 = arith.constant 0 : index
    %swap3A_77 = arith.constant 0 : index
    %swap3A_78 = vector.load %arg12[%swap3A_75, %swap3A_76, %swap3A_77] : memref<4x1x128xf32, #tpu.memory_space<vmem>>, vector<1x1x128xf32>
    %swap3A_79 = vector.shape_cast %swap3A_78 : vector<1x1x128xf32> to vector<1x128xf32>
    %swap3A_80 = vector.shape_cast %add3A_74 : vector<1x128xf32> to vector<1x1x128xf32>
    tpu.vector_store %arg12[%swap3A_75, %swap3A_76, %swap3A_77], %swap3A_80 {strides = array<i32>} : memref<4x1x128xf32, #tpu.memory_space<vmem>>, vector<1x1x128xf32>,
    %get3A_81 = arith.index_cast %get3A_0 : i32 to index
    %get3A_82 = arith.constant 0 : index
    %get3A_83 = arith.constant 0 : index
    %get3A_84 = vector.load %arg13[%get3A_81, %get3A_82, %get3A_83] : memref<4x1x128xf32, #tpu.memory_space<vmem>>, vector<1x1x128xf32>
    %get3A_85 = vector.shape_cast %get3A_84 : vector<1x1x128xf32> to vector<1x128xf32>
    %mul3A_86 = arith.mulf %add3A_53, %add3A_53 : vector<4096x128xf32>
    %jit3A_87 = arith.constant 0.000000e+00 : f32
    %broadcast_in_dim3A_88 = vector.shape_cast %lt3A_62 : vector<4096x1xi1> to vector<4096x1xi1>
    %broadcast_in_dim3A_89 = vector.broadcast %broadcast_in_dim3A_88 : vector<4096x1xi1> to vector<4096x128xi1>
    %broadcast_in_dim3A_90 = vector.broadcast %jit3A_87 : f32 to vector<4096x128xf32>
    %select_n3A_91 = arith.select %broadcast_in_dim3A_89, %mul3A_86, %broadcast_in_dim3A_90 : vector<4096x128xi1>, vector<4096x128xf32>
    %reduce_sum3A_92 = arith.constant dense<0.000000e+00> : vector<128xf32>
    %reduce_sum3A_93 = vector.multi_reduction <add>, %select_n3A_91, %reduce_sum3A_92 [0] : vector<4096x128xf32> to vector<128xf32>
    %broadcast_in_dim3A_94 = vector.shape_cast %reduce_sum3A_93 : vector<128xf32> to vector<1x128xf32>
    %add3A_95 = arith.addf %get3A_85, %broadcast_in_dim3A_94 : vector<1x128xf32>
    %swap3A_96 = arith.index_cast %get3A_0 : i32 to index
    %swap3A_97 = arith.constant 0 : index
    %swap3A_98 = arith.constant 0 : index
    %swap3A_99 = vector.load %arg13[%swap3A_96, %swap3A_97, %swap3A_98] : memref<4x1x128xf32, #tpu.memory_space<vmem>>, vector<1x1x128xf32>
    %swap3A_100 = vector.shape_cast %swap3A_99 : vector<1x1x128xf32> to vector<1x128xf32>
    %swap3A_101 = vector.shape_cast %add3A_95 : vector<1x128xf32> to vector<1x1x128xf32>
    tpu.vector_store %arg13[%swap3A_96, %swap3A_97, %swap3A_98], %swap3A_101 {strides = array<i32>} : memref<4x1x128xf32, #tpu.memory_space<vmem>>, vector<1x1x128xf32>,
    return
  }
  func.func @transform_0(%arg0: i32, %arg1: memref<44xi32, #tpu.memory_space<smem>>, %arg2: memref<4xi32, #tpu.memory_space<smem>>, %arg3: memref<4xf32, #tpu.memory_space<smem>>) -> (i32, i32) {
    %c0_i32 = arith.constant 0 : i32
    %c0_i32_0 = arith.constant 0 : i32
    return %arg0, %c0_i32 : i32, i32
  }
  func.func @transform_1(%arg0: i32, %arg1: memref<44xi32, #tpu.memory_space<smem>>, %arg2: memref<4xi32, #tpu.memory_space<smem>>, %arg3: memref<4xf32, #tpu.memory_space<smem>>) -> (i32, i32, i32) {
    %c0_i32 = arith.constant 0 : i32
    %c0_i32_0 = arith.constant 0 : i32
    %c0_i32_1 = arith.constant 0 : i32
    %c0_i32_2 = arith.constant 0 : i32
    return %c0_i32, %c0_i32_0, %c0_i32_1 : i32, i32, i32
  }
  func.func @transform_2(%arg0: i32, %arg1: memref<44xi32, #tpu.memory_space<smem>>, %arg2: memref<4xi32, #tpu.memory_space<smem>>, %arg3: memref<4xf32, #tpu.memory_space<smem>>) -> (i32, i32, i32) {
    %c0_i32 = arith.constant 0 : i32
    %c0_i32_0 = arith.constant 0 : i32
    %c0_i32_1 = arith.constant 0 : i32
    %c0_i32_2 = arith.constant 0 : i32
    return %c0_i32, %c0_i32_0, %c0_i32_1 : i32, i32, i32
  }
  func.func @transform_3(%arg0: i32, %arg1: memref<44xi32, #tpu.memory_space<smem>>, %arg2: memref<4xi32, #tpu.memory_space<smem>>, %arg3: memref<4xf32, #tpu.memory_space<smem>>) -> (i32, i32, i32) {
    %c0_i32 = arith.constant 0 : i32
    %c0_i32_0 = arith.constant 0 : i32
    %c0_i32_1 = arith.constant 0 : i32
    %c0_i32_2 = arith.constant 0 : i32
    return %c0_i32, %c0_i32_0, %c0_i32_1 : i32, i32, i32
  }
  func.func @transform_4(%arg0: i32, %arg1: memref<44xi32, #tpu.memory_space<smem>>, %arg2: memref<4xi32, #tpu.memory_space<smem>>, %arg3: memref<4xf32, #tpu.memory_space<smem>>) -> (i32, i32, i32) {
    %c0_i32 = arith.constant 0 : i32
    %c0_i32_0 = arith.constant 0 : i32
    %c0_i32_1 = arith.constant 0 : i32
    %c0_i32_2 = arith.constant 0 : i32
    return %c0_i32, %c0_i32_0, %c0_i32_1 : i32, i32, i32
  }
  func.func @transform_5(%arg0: i32, %arg1: memref<44xi32, #tpu.memory_space<smem>>, %arg2: memref<4xi32, #tpu.memory_space<smem>>, %arg3: memref<4xf32, #tpu.memory_space<smem>>) -> (i32, i32, i32) {
    %c0_i32 = arith.constant 0 : i32
    %c0_i32_0 = arith.constant 0 : i32
    %c0_i32_1 = arith.constant 0 : i32
    %c0_i32_2 = arith.constant 0 : i32
    return %c0_i32, %c0_i32_0, %c0_i32_1 : i32, i32, i32
  }
  func.func @transform_6(%arg0: i32, %arg1: memref<44xi32, #tpu.memory_space<smem>>, %arg2: memref<4xi32, #tpu.memory_space<smem>>, %arg3: memref<4xf32, #tpu.memory_space<smem>>) -> (i32, i32, i32) {
    %c0_i32 = arith.constant 0 : i32
    %c0_i32_0 = arith.constant 0 : i32
    %c0_i32_1 = arith.constant 0 : i32
    %c0_i32_2 = arith.constant 0 : i32
    return %c0_i32, %c0_i32_0, %c0_i32_1 : i32, i32, i32
  }
  func.func @transform_7(%arg0: i32, %arg1: memref<44xi32, #tpu.memory_space<smem>>, %arg2: memref<4xi32, #tpu.memory_space<smem>>, %arg3: memref<4xf32, #tpu.memory_space<smem>>) -> (i32, i32) {
    %c0_i32 = arith.constant 0 : i32
    %c0_i32_0 = arith.constant 0 : i32
    return %arg0, %c0_i32 : i32, i32
  }
  func.func @transform_8(%arg0: i32, %arg1: memref<44xi32, #tpu.memory_space<smem>>, %arg2: memref<4xi32, #tpu.memory_space<smem>>, %arg3: memref<4xf32, #tpu.memory_space<smem>>) -> (i32, i32, i32) {
    %c0_i32 = arith.constant 0 : i32
    %c0_i32_0 = arith.constant 0 : i32
    %c0_i32_1 = arith.constant 0 : i32
    %c0_i32_2 = arith.constant 0 : i32
    return %c0_i32, %c0_i32_0, %c0_i32_1 : i32, i32, i32
  }
  func.func @transform_9(%arg0: i32, %arg1: memref<44xi32, #tpu.memory_space<smem>>, %arg2: memref<4xi32, #tpu.memory_space<smem>>, %arg3: memref<4xf32, #tpu.memory_space<smem>>) -> (i32, i32, i32) {
    %c0_i32 = arith.constant 0 : i32
    %c0_i32_0 = arith.constant 0 : i32
    %c0_i32_1 = arith.constant 0 : i32
    %c0_i32_2 = arith.constant 0 : i32
    return %c0_i32, %c0_i32_0, %c0_i32_1 : i32, i32, i32
  }
}

module attributes {stable_mosaic.version = 14 : i64} {
  func.func @_fin_body(%arg0: i32, %arg1: memref<44xi32, #tpu.memory_space<smem>>, %arg2: memref<4xi32, #tpu.memory_space<smem>>, %arg3: memref<4xf32, #tpu.memory_space<smem>>, %arg4: memref<4096x128xf32, #tpu.memory_space<vmem>>, %arg5: memref<4x1x128xf32, #tpu.memory_space<vmem>>, %arg6: memref<4x1x128xf32, #tpu.memory_space<vmem>>, %arg7: memref<4x1x128xf32, #tpu.memory_space<vmem>>, %arg8: memref<4x1x128xf32, #tpu.memory_space<vmem>>, %arg9: memref<4x1x128xf32, #tpu.memory_space<vmem>>, %arg10: memref<4096x128xf32, #tpu.memory_space<vmem>>) attributes {dimension_semantics = [#tpu.dimension_semantics<arbitrary>], iteration_bounds = array<i64: 44>, scalar_prefetch = 3 : i64, scratch_operands = 0 : i64, tpu.core_type = #tpu.core_type<tc>, window_params = [{transform_indices = @transform_0, window_bounds = array<i64: 4096, 128>}, {pipeline_mode = #tpu.pipeline_mode<synchronous>, transform_indices = @transform_1, window_bounds = array<i64: 4, 1, 128>}, {pipeline_mode = #tpu.pipeline_mode<synchronous>, transform_indices = @transform_2, window_bounds = array<i64: 4, 1, 128>}, {pipeline_mode = #tpu.pipeline_mode<synchronous>, transform_indices = @transform_3, window_bounds = array<i64: 4, 1, 128>}, {pipeline_mode = #tpu.pipeline_mode<synchronous>, transform_indices = @transform_4, window_bounds = array<i64: 4, 1, 128>}, {pipeline_mode = #tpu.pipeline_mode<synchronous>, transform_indices = @transform_5, window_bounds = array<i64: 4, 1, 128>}, {transform_indices = @transform_6, window_bounds = array<i64: 4096, 128>}]} {
    %get3A = arith.index_cast %arg0 : i32 to index
    %get3A_0 = memref.load %arg1[%get3A] : memref<44xi32, #tpu.memory_space<smem>>
    %get3A_1 = arith.index_cast %get3A_0 : i32 to index
    %get3A_2 = memref.load %arg3[%get3A_1] : memref<4xf32, #tpu.memory_space<smem>>
    %get3A_3 = arith.index_cast %get3A_0 : i32 to index
    %get3A_4 = arith.constant 0 : index
    %get3A_5 = arith.constant 0 : index
    %get3A_6 = vector.load %arg5[%get3A_3, %get3A_4, %get3A_5] : memref<4x1x128xf32, #tpu.memory_space<vmem>>, vector<1x1x128xf32>
    %get3A_7 = vector.shape_cast %get3A_6 : vector<1x1x128xf32> to vector<1x128xf32>
    %div3A = vector.broadcast %get3A_2 : f32 to vector<1x128xf32>
    %div3A_8 = arith.divf %get3A_7, %div3A : vector<1x128xf32>
    %get3A_9 = arith.index_cast %get3A_0 : i32 to index
    %get3A_10 = arith.constant 0 : index
    %get3A_11 = arith.constant 0 : index
    %get3A_12 = vector.load %arg6[%get3A_9, %get3A_10, %get3A_11] : memref<4x1x128xf32, #tpu.memory_space<vmem>>, vector<1x1x128xf32>
    %get3A_13 = vector.shape_cast %get3A_12 : vector<1x1x128xf32> to vector<1x128xf32>
    %div3A_14 = vector.broadcast %get3A_2 : f32 to vector<1x128xf32>
    %div3A_15 = arith.divf %get3A_13, %div3A_14 : vector<1x128xf32>
    %mul3A = arith.mulf %div3A_8, %div3A_8 : vector<1x128xf32>
    %sub3A = arith.subf %div3A_15, %mul3A : vector<1x128xf32>
    %get3A_16 = arith.constant 0 : index
    %get3A_17 = arith.constant 0 : index
    %get3A_18 = vector.load %arg4[%get3A_16, %get3A_17] : memref<4096x128xf32, #tpu.memory_space<vmem>>, vector<4096x128xf32>
    %sub3A_19 = vector.broadcast %div3A_8 : vector<1x128xf32> to vector<4096x128xf32>
    %sub3A_20 = arith.subf %get3A_18, %sub3A_19 : vector<4096x128xf32>
    %add3A = arith.constant 9.99999974E-6 : f32
    %add3A_21 = vector.broadcast %add3A : f32 to vector<1x128xf32>
    %add3A_22 = arith.addf %sub3A, %add3A_21 : vector<1x128xf32>
    %rsqrt3A = math.rsqrt %add3A_22 : vector<1x128xf32>
    %mul3A_23 = vector.broadcast %rsqrt3A : vector<1x128xf32> to vector<4096x128xf32>
    %mul3A_24 = arith.mulf %sub3A_20, %mul3A_23 : vector<4096x128xf32>
    %get3A_25 = arith.index_cast %get3A_0 : i32 to index
    %get3A_26 = arith.constant 0 : index
    %get3A_27 = arith.constant 0 : index
    %get3A_28 = vector.load %arg7[%get3A_25, %get3A_26, %get3A_27] : memref<4x1x128xf32, #tpu.memory_space<vmem>>, vector<1x1x128xf32>
    %get3A_29 = vector.shape_cast %get3A_28 : vector<1x1x128xf32> to vector<1x128xf32>
    %mul3A_30 = vector.broadcast %get3A_29 : vector<1x128xf32> to vector<4096x128xf32>
    %mul3A_31 = arith.mulf %mul3A_24, %mul3A_30 : vector<4096x128xf32>
    %get3A_32 = arith.index_cast %get3A_0 : i32 to index
    %get3A_33 = arith.constant 0 : index
    %get3A_34 = arith.constant 0 : index
    %get3A_35 = vector.load %arg8[%get3A_32, %get3A_33, %get3A_34] : memref<4x1x128xf32, #tpu.memory_space<vmem>>, vector<1x1x128xf32>
    %get3A_36 = vector.shape_cast %get3A_35 : vector<1x1x128xf32> to vector<1x128xf32>
    %add3A_37 = vector.broadcast %get3A_36 : vector<1x128xf32> to vector<4096x128xf32>
    %add3A_38 = arith.addf %mul3A_31, %add3A_37 : vector<4096x128xf32>
    %max3A = arith.constant 0.000000e+00 : f32
    %max3A_39 = vector.broadcast %max3A : f32 to vector<4096x128xf32>
    %max3A_40 = arith.maximumf %add3A_38, %max3A_39 : vector<4096x128xf32>
    %mul3A_41 = arith.constant 4096 : i32
    %mul3A_42 = arith.muli %arg0, %mul3A_41 : i32
    %iota3A = tpu.iota {dimensions = array<i32: 0>} : vector<4096x1xi32>
    %add3A_43 = vector.broadcast %mul3A_42 : i32 to vector<4096x1xi32>
    %add3A_44 = arith.addi %add3A_43, %iota3A : vector<4096x1xi32>
    %get3A_45 = arith.index_cast %get3A_0 : i32 to index
    %get3A_46 = memref.load %arg2[%get3A_45] : memref<4xi32, #tpu.memory_space<smem>>
    %lt3A = vector.broadcast %get3A_46 : i32 to vector<4096x1xi32>
    %lt3A_47 = arith.cmpi slt, %add3A_44, %lt3A : vector<4096x1xi32>
    %get3A_48 = arith.index_cast %get3A_0 : i32 to index
    %get3A_49 = arith.constant 0 : index
    %get3A_50 = arith.constant 0 : index
    %get3A_51 = vector.load %arg9[%get3A_48, %get3A_49, %get3A_50] : memref<4x1x128xf32, #tpu.memory_space<vmem>>, vector<1x1x128xf32>
    %get3A_52 = vector.shape_cast %get3A_51 : vector<1x1x128xf32> to vector<1x128xf32>
    %mul3A_53 = vector.broadcast %get3A_52 : vector<1x128xf32> to vector<4096x128xf32>
    %mul3A_54 = arith.mulf %max3A_40, %mul3A_53 : vector<4096x128xf32>
    %jit3A = arith.constant 0.000000e+00 : f32
    %broadcast_in_dim3A = vector.shape_cast %lt3A_47 : vector<4096x1xi1> to vector<4096x1xi1>
    %broadcast_in_dim3A_55 = vector.broadcast %broadcast_in_dim3A : vector<4096x1xi1> to vector<4096x128xi1>
    %broadcast_in_dim3A_56 = vector.broadcast %jit3A : f32 to vector<4096x128xf32>
    %select_n3A = arith.select %broadcast_in_dim3A_55, %mul3A_54, %broadcast_in_dim3A_56 : vector<4096x128xi1>, vector<4096x128xf32>
    %swap3A = arith.constant 0 : index
    %swap3A_57 = arith.constant 0 : index
    %swap3A_58 = vector.load %arg10[%swap3A, %swap3A_57] : memref<4096x128xf32, #tpu.memory_space<vmem>>, vector<4096x128xf32>
    tpu.vector_store %arg10[%swap3A, %swap3A_57], %select_n3A {strides = array<i32>} : memref<4096x128xf32, #tpu.memory_space<vmem>>, vector<4096x128xf32>,
    return
  }
  func.func @transform_0(%arg0: i32, %arg1: memref<44xi32, #tpu.memory_space<smem>>, %arg2: memref<4xi32, #tpu.memory_space<smem>>, %arg3: memref<4xf32, #tpu.memory_space<smem>>) -> (i32, i32) {
    %c0_i32 = arith.constant 0 : i32
    %c0_i32_0 = arith.constant 0 : i32
    return %arg0, %c0_i32 : i32, i32
  }
  func.func @transform_1(%arg0: i32, %arg1: memref<44xi32, #tpu.memory_space<smem>>, %arg2: memref<4xi32, #tpu.memory_space<smem>>, %arg3: memref<4xf32, #tpu.memory_space<smem>>) -> (i32, i32, i32) {
    %c0_i32 = arith.constant 0 : i32
    %c0_i32_0 = arith.constant 0 : i32
    %c0_i32_1 = arith.constant 0 : i32
    %c0_i32_2 = arith.constant 0 : i32
    return %c0_i32, %c0_i32_0, %c0_i32_1 : i32, i32, i32
  }
  func.func @transform_2(%arg0: i32, %arg1: memref<44xi32, #tpu.memory_space<smem>>, %arg2: memref<4xi32, #tpu.memory_space<smem>>, %arg3: memref<4xf32, #tpu.memory_space<smem>>) -> (i32, i32, i32) {
    %c0_i32 = arith.constant 0 : i32
    %c0_i32_0 = arith.constant 0 : i32
    %c0_i32_1 = arith.constant 0 : i32
    %c0_i32_2 = arith.constant 0 : i32
    return %c0_i32, %c0_i32_0, %c0_i32_1 : i32, i32, i32
  }
  func.func @transform_3(%arg0: i32, %arg1: memref<44xi32, #tpu.memory_space<smem>>, %arg2: memref<4xi32, #tpu.memory_space<smem>>, %arg3: memref<4xf32, #tpu.memory_space<smem>>) -> (i32, i32, i32) {
    %c0_i32 = arith.constant 0 : i32
    %c0_i32_0 = arith.constant 0 : i32
    %c0_i32_1 = arith.constant 0 : i32
    %c0_i32_2 = arith.constant 0 : i32
    return %c0_i32, %c0_i32_0, %c0_i32_1 : i32, i32, i32
  }
  func.func @transform_4(%arg0: i32, %arg1: memref<44xi32, #tpu.memory_space<smem>>, %arg2: memref<4xi32, #tpu.memory_space<smem>>, %arg3: memref<4xf32, #tpu.memory_space<smem>>) -> (i32, i32, i32) {
    %c0_i32 = arith.constant 0 : i32
    %c0_i32_0 = arith.constant 0 : i32
    %c0_i32_1 = arith.constant 0 : i32
    %c0_i32_2 = arith.constant 0 : i32
    return %c0_i32, %c0_i32_0, %c0_i32_1 : i32, i32, i32
  }
  func.func @transform_5(%arg0: i32, %arg1: memref<44xi32, #tpu.memory_space<smem>>, %arg2: memref<4xi32, #tpu.memory_space<smem>>, %arg3: memref<4xf32, #tpu.memory_space<smem>>) -> (i32, i32, i32) {
    %c0_i32 = arith.constant 0 : i32
    %c0_i32_0 = arith.constant 0 : i32
    %c0_i32_1 = arith.constant 0 : i32
    %c0_i32_2 = arith.constant 0 : i32
    return %c0_i32, %c0_i32_0, %c0_i32_1 : i32, i32, i32
  }
  func.func @transform_6(%arg0: i32, %arg1: memref<44xi32, #tpu.memory_space<smem>>, %arg2: memref<4xi32, #tpu.memory_space<smem>>, %arg3: memref<4xf32, #tpu.memory_space<smem>>) -> (i32, i32) {
    %c0_i32 = arith.constant 0 : i32
    %c0_i32_0 = arith.constant 0 : i32
    return %arg0, %c0_i32 : i32, i32
  }
}

module attributes {stable_mosaic.version = 14 : i64} {
  func.func @_add_body(%arg0: i32, %arg1: memref<400x128xf32, #tpu.memory_space<vmem>>, %arg2: memref<400x128xf32, #tpu.memory_space<vmem>>, %arg3: memref<400x128xf32, #tpu.memory_space<vmem>>) attributes {dimension_semantics = [#tpu.dimension_semantics<arbitrary>], iteration_bounds = array<i64: 25>, scalar_prefetch = 0 : i64, scratch_operands = 0 : i64, tpu.core_type = #tpu.core_type<tc>, window_params = [{transform_indices = @transform_0, window_bounds = array<i64: 400, 128>}, {transform_indices = @transform_1, window_bounds = array<i64: 400, 128>}, {transform_indices = @transform_2, window_bounds = array<i64: 400, 128>}]} {
    %get3A = arith.constant 0 : index
    %get3A_0 = arith.constant 0 : index
    %get3A_1 = vector.load %arg1[%get3A, %get3A_0] : memref<400x128xf32, #tpu.memory_space<vmem>>, vector<400x128xf32>
    %get3A_2 = arith.constant 0 : index
    %get3A_3 = arith.constant 0 : index
    %get3A_4 = vector.load %arg2[%get3A_2, %get3A_3] : memref<400x128xf32, #tpu.memory_space<vmem>>, vector<400x128xf32>
    %add3A = arith.addf %get3A_1, %get3A_4 : vector<400x128xf32>
    %swap3A = arith.constant 0 : index
    %swap3A_5 = arith.constant 0 : index
    %swap3A_6 = vector.load %arg3[%swap3A, %swap3A_5] : memref<400x128xf32, #tpu.memory_space<vmem>>, vector<400x128xf32>
    tpu.vector_store %arg3[%swap3A, %swap3A_5], %add3A {strides = array<i32>} : memref<400x128xf32, #tpu.memory_space<vmem>>, vector<400x128xf32>,
    return
  }
  func.func @transform_0(%arg0: i32) -> (i32, i32) {
    %c0_i32 = arith.constant 0 : i32
    %c0_i32_0 = arith.constant 0 : i32
    return %arg0, %c0_i32 : i32, i32
  }
  func.func @transform_1(%arg0: i32) -> (i32, i32) {
    %c0_i32 = arith.constant 0 : i32
    %c0_i32_0 = arith.constant 0 : i32
    return %arg0, %c0_i32 : i32, i32
  }
  func.func @transform_2(%arg0: i32) -> (i32, i32) {
    %c0_i32 = arith.constant 0 : i32
    %c0_i32_0 = arith.constant 0 : i32
    return %arg0, %c0_i32 : i32, i32
  }
}

</mosaic_0001>

<sc_bundles>
// kernel: kernel.10.cloned.1.call-start
scs
__scs_entry_jumppad:
0x0: {  	(pc) =	sbr.rel $0x88, $3  }
0x1: {  	(tag) =	ssettag $0x0;
	lr =	simm.s32 $0x1  }
0x2: {  	[smem:$0x3F94] =	sst lr;
	_ =	strace $0xD0000000  }
0x3: {  	_ = 	snop  }
0x4: {  	_ = 	snop  }
0x5: {  	_ = 	snop  }
0x6: {  	_ = 	snop  }
0x7: {  	_ = 	snop  }
__scs_overlays_trampoline_lowered:
0x8: {  	[smem:$0x3FA3] =	sst s0  }
0x9: {  	[smem:$0x3FA4] =	sst s1  }
0xa: {  	[smem:$0x3FA5] =	sst s2  }
0xb: {  	[smem:$0x3FA6] =	sst s3  }
0xc: {  	[smem:$0x3FA7] =	sst s4  }
0xd: {  	[smem:$0x3FA8] =	sst s5  }
0xe: {  	[smem:$0x3FA9] =	sst s6  }
0xf: {  	[smem:$0x3FAA] =	sst s7  }
0x10: {  	[smem:$0x3FAB] =	sst s8  }
0x11: {  	[smem:$0x3FAC] =	sst s9;
	s0 =	simm.s32 @!p0 $0x0  }
0x12: {  	s1 =	sld [smem:$0x3F92];
	s0 =	simm.s32 @p0 $0x1  }
0x13: {  	[smem:$0x3FAD] =	sst s0;
	s0 =	simm.s32 @!p1 $0x0  }
0x14: {  	s2 =	sld [smem:$0x3F91];
	s0 =	simm.s32 @p1 $0x1  }
0x15: {  	[smem:$0x3FAE] =	sst s0;
	s0 =	simm.s32 @!p2 $0x0  }
0x16: {  	s3 =	sld [smem:$0x3FDB];
	s0 =	simm.s32 @p2 $0x1  }
0x17: {  	s4 =	simm.s32 $0x1BF5;
	[smem:$0x3FB0] =	sst s0  }
0x18: {  	s0 =	sld [smem:$0x3F93];
	_ =	swait.ge [sflag:s4], $0x0  }
0x19: {  	s7 =	sld [smem:$0x3F94]  }
0x1a: {  	s8 =	sadd.s32 $0xFFFFE003, lr  }
0x1b: {  	s9 =	sadd.s32 $0xFFFFFEF7, lr;
	s5 =	simm.s32 $0xFFFFFFFF;
	p2 =	slt.u32 s8, $0xFFFFF086  }
0x1c: {  	p1 =	slt.u32 s9, $0xF7A;
	s5 =	simm.s32 @!p2 $0x0  }
0x1d: {  	s5 =	simm.s32 @p1 $0x1;
	p0 =	seq.s32 s7, s2  }
0x1e: {  	s7 =	smul.u32 @!p0 $0xF7A, s2;
	p2 =	seq.s32 @!p0 s5, $0x0  }
0x1f: {  	s9 =	smul.u32 $0xF7A, s1;
	s8 =	simm.s32 @!p0 $0x1BF5;
	p2 =	por !p2, p0  }
0x20: {  	[sflag:s8] =	ssyncset.s32 @!p0 $0xFFFFF086;
	s6 =	sadd.s32 @!p0 s3, s7;
	s7 =	simm.s32 @!p0 $0x108  }
0x21: {  	s3 =	sadd.s32 s3, s9;
	s6 =	sadd.s32 @!p0 $0x88, s6;
	s7 =	simm.s32 @p2 $0x1082  }
0x22: {  	[simem:s7], [sflag:s8] =	dma.local @!p0 [hbm:s6], $0xF7A  }
0x23: {  	s9 =	sor.u32 $0xD0000000, s2;
	s6 =	simm.s32 $0x108;
	_ =	swait.ge @!p0 [sflag:s8], $0x0  }
0x24: {  	s3 =	sadd.s32 $0x88, s3;
	s6 =	simm.s32 @!p1 $0x1082;
	[sflag:s4] =	ssyncset.s32 $0xFFFFF086  }
0x25: {  	[simem:s6], [sflag:s4] =	dma.local [hbm:s3], $0xF7A  }
0x26: {  	[smem:$0x3F94] =	sst s1;
	(tag) =	ssettag s2;
	_ =	strace s9  }
0x27: {  	s1 =	sld [smem:$0x3FA4]  }
0x28: {  	s2 =	sld [smem:$0x3FA5]  }
0x29: {  	s4 =	sld [smem:$0x3FA7]  }
0x2a: {  	p0 =	seq.s32 s5, $0x0;
	s5 =	sld [smem:$0x3FA8]  }
0x2b: {  	s6 =	sld [smem:$0x3FA9]  }
0x2c: {  	s7 =	sld [smem:$0x3FAA]  }
0x2d: {  	s3 =	simm.s32 $0x108;
	s8 =	sld [smem:$0x3FAB]  }
0x2e: {  	s3 =	simm.s32 @!p0 $0x1082;
	s9 =	sld [smem:$0x3FAC]  }
0x2f: {  	lr =	sadd.s32 s0, s3;
	s0 =	sld [smem:$0x3FA3]  }
0x30: {  	s3 =	sld [smem:$0x3FA6]  }
0x31: {  	[smem:$0x3FAF] =	sst s10  }
0x32: {  	s10 =	sld [smem:$0x3FAD];
	_ =	sdelay $0x3  }
0x33: {  	p0 =	seq.s32 s10, $0x1;
	s10 =	sld [smem:$0x3FAF];
	_ =	sdelay $0x3  }
0x34: {  	[smem:$0x3FAF] =	sst s10  }
0x35: {  	s10 =	sld [smem:$0x3FAE];
	_ =	sdelay $0x3  }
0x36: {  	p1 =	seq.s32 s10, $0x1;
	s10 =	sld [smem:$0x3FAF];
	_ =	sdelay $0x3  }
0x37: {  	[smem:$0x3FAF] =	sst s10  }
0x38: {  	s10 =	sld [smem:$0x3FB0]  }
0x39: {  	_ = 	snop;
	(pc) =	sbr.ind lr, $3  }
0x3a: {  	_ = 	snop  }
0x3b: {  	_ = 	snop  }
0x3c: {  	p2 =	seq.s32 s10, $0x1;
	s10 =	sld [smem:$0x3FAF]  }
0x3d: {  	_ =	shalt  }
0x3e: {  	_ =	shalt  }
0x3f: {  	_ =	shalt  }
0x40: {  	_ =	shalt  }
0x41: {  	_ =	shalt  }
0x42: {  	_ =	shalt  }
0x43: {  	_ =	shalt  }
0x44: {  	_ =	shalt  }
0x45: {  	_ =	shalt  }
0x46: {  	_ =	shalt  }
0x47: {  	_ =	shalt  }
0x48: {  	_ =	shalt  }
0x49: {  	_ =	shalt  }
0x4a: {  	_ =	shalt  }
0x4b: {  	_ =	shalt  }
0x4c: {  	_ =	shalt  }
0x4d: {  	_ =	shalt  }
0x4e: {  	_ =	shalt  }
0x4f: {  	_ =	shalt  }
0x50: {  	_ =	shalt  }
0x51: {  	_ =	shalt  }
0x52: {  	_ =	shalt  }
0x53: {  	_ =	shalt  }
0x54: {  	_ =	shalt  }
0x55: {  	_ =	shalt  }
0x56: {  	_ =	shalt  }
0x57: {  	_ =	shalt  }
0x58: {  	_ =	shalt  }
0x59: {  	_ =	shalt  }
0x5a: {  	_ =	shalt  }
0x5b: {  	_ =	shalt  }
0x5c: {  	_ =	shalt  }
0x5d: {  	_ =	shalt  }
0x5e: {  	_ =	shalt  }
0x5f: {  	_ =	shalt  }
0x60: {  	_ =	shalt  }
0x61: {  	_ =	shalt  }
0x62: {  	_ =	shalt  }
0x63: {  	_ =	shalt  }
0x64: {  	_ =	shalt  }
0x65: {  	_ =	shalt  }
0x66: {  	_ =	shalt  }
0x67: {  	_ =	shalt  }
0x68: {  	_ =	shalt  }
0x69: {  	_ =	shalt  }
0x6a: {  	_ =	shalt  }
0x6b: {  	_ =	shalt  }
0x6c: {  	_ =	shalt  }
0x6d: {  	_ =	shalt  }
0x6e: {  	_ =	shalt  }
0x6f: {  	_ =	shalt  }
0x70: {  	_ =	shalt  }
0x71: {  	_ =	shalt  }
0x72: {  	_ =	shalt  }
0x73: {  	_ =	shalt  }
0x74: {  	_ =	shalt  }
0x75: {  	_ =	shalt  }
0x76: {  	_ =	shalt  }
0x77: {  	_ =	shalt  }
0x78: {  	_ =	shalt  }
0x79: {  	_ =	shalt  }
0x7a: {  	_ =	shalt  }
0x7b: {  	_ =	shalt  }
0x7c: {  	_ =	shalt  }
0x7d: {  	_ =	shalt  }
0x7e: {  	_ =	shalt  }
0x7f: {  	_ =	shalt  }
0x80: {  	_ =	shalt  }
0x81: {  	_ =	shalt  }
0x82: {  	_ =	shalt  }
0x83: {  	_ =	shalt  }
0x84: {  	_ =	shalt  }
0x85: {  	_ =	shalt  }
0x86: {  	_ =	shalt  }
0x87: {  	_ =	shalt  }
.Lfunc_end0:
.L_simem_size_0:
called_computation_lowered:
.L_overlay_start_0:
0x88: {  	s2 =	sld [smem:$0x3FD9]  }
0x89: {  	s3 =	sld [smem:$0x3FFE];
	_ =	sdelay $0x1  }
0x8a: {  	s1 =	srdreg.scid  }
0x8b: {  	s0 =	sand.u32 $0x1, s1  }
0x8c: {  	s17 =	sshll.u32 s0, $0xA;
	s2 =	sadd.s32 s3, s2  }
0x8d: {  	s2 =	sadd.s32 s2, s17  }
0x8e: {  	[smem:$0x3FBB] =	sst s2  }
0x8f: {  	_ = 	snop  }
0x90: {  	s2 =	sld [smem:$0x3FC9]  }
0x91: {  	s18 =	sld [smem:$0x3FD0];
	(tm) =	ssettm $0x1  }
0x92: {  	s4 =	sld [smem:$0x3FFB];
	_ =	sdelay $0x3  }
0x93: {  	_ =	strace s4  }
0x94: {  	s4 =	sld [smem:$0x3FFC];
	_ =	sdelay $0x3  }
0x95: {  	_ =	strace s4  }
0x96: {  	s4 =	sld [smem:$0x3FFD];
	_ =	sdelay $0x3  }
0x97: {  	_ =	strace s4  }
0x98: {  	_ =	strace $0x8FFFFFFF  }
0x99: {  	s19 =	sld [smem:$0x3FDB];
	_ =	sdelay $0x1  }
0x9a: {  	s5 =	simm.s32 $_scs_section_size  }
0x9b: {  	s6 =	simm.s32 $_size__tile_overlayer_lowered;
	s7 =	simm.s32 $_tile_overlayer_lowered  }
0x9c: {  	s22 =	simm.s32 $0x1BFF;
	s21 =	sshll.u32 s7, $0x1;
	s4 =	sadd.s32 s5, s19  }
0x9d: {  	s8 =	simm.s32 $0x0;
	s20 =	sshll.u32 s6, $0x1;
	s6 =	sadd.s32 s21, s4  }
0x9e: {  	[timem:s8], [sflag:s22] =	dma.local [hbm:s6], s20  }
0x9f: {  	_ =	swait.ge [sflag:s22], s20  }
0xa0: {  	s5 =	ssub.s32 $0x0, s20;
	[sflag:s22] =	ssyncset.done $0x0  }
0xa1: {  	[sflag:s22] =	ssyncadd.s32 s5;
	_ =	sdelay $0x1  }
0xa2: {  	s23 =	simm.s32 $0x1B8B  }
0xa3: {  	_ =	swait.ge [sflag:s23], $0x1  }
0xa4: {  	[sflag:s23] =	ssyncset.done $0x0  }
0xa5: {  	s25 =	simm.s32 $0x1B8E;
	s24 =	sld [smem:$0x3FFE];
	[sflag:s23] =	ssyncadd.s32 $0xFFFFFFFF  }
0xa6: {  	s26 =	simm.s32 $execute0_lowered;
	[smem:$0x3FD2] =	sst s25  }
0xa7: {  	s6 =	sshll.u32 s26, $0x1;
	_ =	strace $0x80000046;
	[dreg:$0x1] =	wrdreg $0xFFFFFFFF  }
0xa8: {  	s28 =	simm.s32 $_size_execute0_lowered;
	s4 =	sadd.s32 s4, s6;
	[dreg:$0x0] =	wrdreg $0x0  }
0xa9: {  	s6 =	sshll.u32 s28, $0x1;
	[dreg:$0x2] =	wrdreg s4  }
0xaa: {  	[dreg:$0x3] =	wrdreg s6  }
0xab: {  	[dreg:$0x4] =	wrdreg $0xC0  }
0xac: {  	_ =	task [dreg:s8], $0x5FFFF  }
0xad: {  	[dreg:$0x1] =	wrdreg $0xFFFFFFFF  }
0xae: {  	[dreg:$0x0] =	wrdreg $0x60  }
0xaf: {  	[dreg:$0x2] =	wrdreg s2  }
0xb0: {  	[dreg:$0x3] =	wrdreg s24  }
0xb1: {  	[dreg:$0x4] =	wrdreg s18  }
0xb2: {  	[dreg:$0x5] =	wrdreg $0x9  }
0xb3: {  	_ =	task.clear_ibuf [dreg:s8], $0x6FFFF;
	_ =	strace $0x90000046  }
0xb4: {  	s29 =	simm.s32 $0x9;
	_ =	strace $0x80000048  }
0xb5: {  	_ =	swait.ge [sflag:s29], $0x1  }
0xb6: {  	[sflag:s29] =	ssyncadd.s32 $0xFFFFFFFF  }
0xb7: {  	_ =	strace $0x90000048  }
0xb8: {  	_ =	sfence  }
0xb9: {  	s30 =	sld [smem:$0x0];
	_ =	sdelay $0x2  }
0xba: {  	s31 =	sshll.u32 s1, $0xD;
	s1 =	sshrl.u32 s1, $0x2  }
0xbb: {  	s3 =	sand.u32 $0x4000, s31;
	s1 =	sadd.s32 s1, s30  }
0xbc: {  	s0 =	sor.u32 s3, s0;
	s1 =	sshll.u32 s1, $0x11  }
0xbd: {  	s0 =	sor.u32 s1, s0  }
0xbe: {  	s0 =	sadd.s32 $0x8F2B, s0  }
0xbf: {  	[sflag:s0] =	ssyncadd.remote.s32 $0x1  }
0xc0: {  	_ =	sfence.sel $0xFFFF  }
0xc1: {  	[dreg:$0x0] =	wrdreg $0xFFFFFFFF;
	(pc) =	sbr.abs _section_cstart, $3  }
0xc2: {  	[dreg:$0x1] =	wrdreg $0xFFFFFFFF  }
0xc3: {  	_ =	task.clear_ibuf [dreg:s8], $0x2FFFF;
	_ =	strace $0x9FFFFFFF  }
0xc4: {  	(tm) =	ssettm $0x7FFFFFFF  }
0xc5: {  	_ =	shalt  }
tec
execute0_lowered:
.L_overlay_start_1:
0x0: {  	(tag) =	ssettag $0x1  }
0x1: {  	s2 =	rddreg [dreg:$0x0]  }
0x2: {  	s7 =	rddreg [dreg:$0x1]  }
0x3: {  	s12 =	rddreg [dreg:$0x2];
	s1 =	stileid.u32  }
0x4: {  	s3 =	simm.s32 $0x0;
	s5 =	srdreg.scid;
	s4 =	smul.u32 $0x2800, s1  }
0x5: {  	[smem:$0x7FF] =	sst s3;
	s13 =	smul.u32 $0x50, s1  }
0x6: {  	s8 =	sand.u32 $0x1, s5;
	s5 =	sadd.s32 $0x7AD600, s7;
	s6 =	sadd.s32 $0xA6D600, s7  }
0x7: {  	s0 =	rddreg [dreg:$0x3];
	_ =	strace $0x80000047;
	s14 =	smul.u32 $0x1400, s8  }
0x8: {  	s9 =	ssub.s32 $0x2, s8;
	s16 =	smul.u32 $0x28, s8;
	s8 =	sshll.u32 s1, $0x1  }
0x9: {  	s10 =	sadd.s32 s4, s7;
	s11 =	sadd.s32 s13, s7;
	s4 =	sadd.s32 $0x4ED600, s7  }
0xa: {  	s15 =	sshrl.u32 s9, $0x1;
	s7 =	sadd.s32 $0xD2D600, s7;
	s31 =	sadd.s32 s13, s12  }
0xb: {  	s9 =	ssub.s32 s9, s15;
	s10 =	sadd.s32 s14, s10;
	s30 =	sadd.s32 s16, s11  }
0xc: {  	s14 =	sadd.s32 s16, s31;
	s9 =	smax.u32 s9, $0x1;
	s10 =	sadd.s32 $0x27C600, s10  }
0xd: {  	s11 =	sadd.s32 $0xB600, s30;
	s12 =	sadd.s32 $0x6600, s30;
	s13 =	sadd.s32 $0x1600, s30  }
.LBB2_1:
0xe: {  	p0 =	sgt.u32 s8, $0x1F3  }
0xf: {  	s15 =	sadd.s32 @!p0 $0x0, s11  }
0x10: {  	s16 =	simm.s32 @!p0 $0x0;
	s17 =	simm.s32 @!p0 $0x480;
	s18 =	simm.s32 @!p0 $0x5  }
0x11: {  	[tilespmem:s17], [sflag:$0x5] =	stream.linear.gather @!p0 [hbm4b:s15+s16], $0x140, $0x38;
	[tilespmem:$0x14600] =	vst v63  }
0x12: {  	_ =	swait.ge @!p0 [sflag:s18], $0x140;
	p0 =	por p0, p0  }
0x13: {  	[sflag:s18] =	ssyncset.done @!p0 $0x0  }
0x14: {  	s15 =	sadd.s32 @!p0 $0x0, s12;
	[sflag:s18] =	ssyncadd.s32 @!p0 $0xFFFFFEC0  }
0x15: {  	[tilespmem:s16], [sflag:$0x5] =	stream.linear.gather @!p0 [hbm4b:s15+s16], $0x140, $0x38;
	[tilespmem:$0x14600] =	vst v63  }
0x16: {  	_ =	swait.ge @!p0 [sflag:s18], $0x140  }
0x17: {  	[sflag:s18] =	ssyncset.done @!p0 $0x0  }
0x18: {  	s19 =	simm.s32 @!p0 $0x180;
	s15 =	sadd.s32 @!p0 $0x0, s13;
	[sflag:s18] =	ssyncadd.s32 @!p0 $0xFFFFFEC0  }
0x19: {  	[tilespmem:s19], [sflag:$0x5] =	stream.linear.gather @!p0 [hbm4b:s15+s16], $0x140, $0x38;
	[tilespmem:$0x14600] =	vst v63  }
0x1a: {  	_ =	swait.ge @!p0 [sflag:s18], $0x140  }
0x1b: {  	[sflag:s18] =	ssyncset.done @!p0 $0x0  }
0x1c: {  	s20 =	simm.s32 @!p0 $0x300;
	s15 =	sadd.s32 @!p0 $0x0, s14;
	[sflag:s18] =	ssyncadd.s32 @!p0 $0xFFFFFEC0  }
0x1d: {  	[tilespmem:s20], [sflag:$0x5] =	stream.linear.gather @!p0 [hbm4b:s15+s16], $0x140, $0x38;
	[tilespmem:$0x14600] =	vst v63  }
0x1e: {  	_ =	swait.ge @!p0 [sflag:s18], $0x140  }
0x1f: {  	[sflag:s18] =	ssyncset.done @!p0 $0x0  }
0x20: {  	s15 =	simm.s32 @!p0 $0x140;
	[sflag:s18] =	ssyncadd.s32 @!p0 $0xFFFFFEC0;
	s18 =	simm.s32 @!p0 $0x600  }
0x21: {  	[tilespmem:s18], [sflag:$0x1] =	stream.indirect.gather @!p0 [hbm4b:s2+s15], $0x80, s16, s15, $0xb8;
	[tilespmem:$0x14600] =	vst v63  }
0x22: {  	s22 =	simm.s32 @!p0 $0xA600;
	s23 =	simm.s32 @!p0 $0x1  }
0x23: {  	[tilespmem:s22], [sflag:$0x2] =	stream.indirect.gather @!p0 [hbm4b:s2+s15], $0x80, s19, s15, $0xb8;
	[tilespmem:$0x14600] =	vst v63  }
0x24: {  	_ =	swait.ge @!p0 [sflag:s23], $0xA000  }
0x25: {  	[sflag:s23] =	ssyncset.done @!p0 $0x0  }
0x26: {  	s19 =	simm.s32 @!p0 $0x2;
	[sflag:s23] =	ssyncadd.s32 @!p0 $0xFFFF6000  }
0x27: {  	[hbm4b:s4+s15] =	stream.indirect.scatter @!p0 [tilespmem:s18], [sflag:$0x3], $0x80, s17, s15, $0xb8;
	[tilespmem:$0x14600] =	vst v63  }
0x28: {  	_ =	swait.ge @!p0 [sflag:s19], $0xA000  }
0x29: {  	[sflag:s19] =	ssyncset.done @!p0 $0x0  }
0x2a: {  	s24 =	simm.s32 @!p0 $0x3;
	[sflag:s19] =	ssyncadd.s32 @!p0 $0xFFFF6000  }
0x2b: {  	[hbm4b:s5+s15] =	stream.indirect.scatter @!p0 [tilespmem:s22], [sflag:$0x4], $0x80, s17, s15, $0xb8;
	[tilespmem:$0x14600] =	vst v63  }
0x2c: {  	_ =	swait.ge @!p0 [sflag:s24], $0xA000  }
0x2d: {  	[sflag:s24] =	ssyncset.done @!p0 $0x0  }
0x2e: {  	s21 =	simm.s32 @!p0 $0x4;
	[sflag:s24] =	ssyncadd.s32 @!p0 $0xFFFF6000  }
0x2f: {  	[tilespmem:s18], [sflag:$0x1] =	stream.indirect.gather @!p0 [hbm4b:s2+s15], $0x80, s20, s15, $0xb8;
	[tilespmem:$0x14600] =	vst v63  }
0x30: {  	_ =	swait.ge @!p0 [sflag:s21], $0xA000  }
0x31: {  	[sflag:s21] =	ssyncset.done @!p0 $0x0  }
0x32: {  	[sflag:s21] =	ssyncadd.s32 @!p0 $0xFFFF6000  }
0x33: {  	[tilespmem:s22], [sflag:$0x2] =	stream.linear.gather @!p0 [hbm4b:s10+s16], $0xA000, $0x38;
	[tilespmem:$0x14600] =	vst v63  }
0x34: {  	_ =	swait.ge @!p0 [sflag:s23], $0xA000  }
0x35: {  	[sflag:s23] =	ssyncset.done @!p0 $0x0  }
0x36: {  	[sflag:s23] =	ssyncadd.s32 @!p0 $0xFFFF6000  }
0x37: {  	[hbm4b:s6+s15] =	stream.indirect.scatter @!p0 [tilespmem:s18], [sflag:$0x3], $0x80, s17, s15, $0xb8;
	[tilespmem:$0x14600] =	vst v63  }
0x38: {  	_ =	swait.ge @!p0 [sflag:s19], $0xA000  }
0x39: {  	[sflag:s19] =	ssyncset.done @!p0 $0x0  }
0x3a: {  	[sflag:s19] =	ssyncadd.s32 @!p0 $0xFFFF6000  }
0x3b: {  	[hbm4b:s7+s15] =	stream.indirect.scatter @!p0 [tilespmem:s22], [sflag:$0x4], $0x80, s17, s15, $0xb8;
	[tilespmem:$0x14600] =	vst v63  }
0x3c: {  	_ =	swait.ge @!p0 [sflag:s24], $0xA000  }
0x3d: {  	[sflag:s24] =	ssyncset.done @!p0 $0x0  }
0x3e: {  	s16 =	simm.s32 $0x500;
	s18 =	sadd.s32 $0x20, s8;
	[sflag:s24] =	ssyncadd.s32 @!p0 $0xFFFF6000  }
0x3f: {  	s17 =	simm.s32 $0xA00;
	s15 =	sadd.s32 $0x28000, s10;
	_ =	swait.ge @!p0 [sflag:s21], $0xA000  }
.LBB2_2:
0x40: {  	p2 =	sgt.u32 s18, $0x1F3  }
0x41: {  	[sflag:s21] =	ssyncset.done @!p0 $0x0;
	s22 =	smov.u32 s17;
	s17 =	sadd.s32 $0x500, s17  }
0x42: {  	s23 =	sadd.s32 @!p2 s16, s11;
	s20 =	simm.s32 @!p2 $0x0;
	[sflag:s21] =	ssyncadd.s32 @!p0 $0xFFFF6000  }
0x43: {  	p1 =	sne.s32 s17, $0x5000;
	s19 =	simm.s32 @!p2 $0x480;
	s21 =	simm.s32 @!p2 $0x5  }
0x44: {  	[tilespmem:s19], [sflag:$0x5] =	stream.linear.gather @!p2 [hbm4b:s23+s20], $0x140, $0x38;
	[tilespmem:$0x14600] =	vst v63  }
0x45: {  	p0 =	por p2, p2;
	_ =	swait.ge @!p2 [sflag:s21], $0x140  }
0x46: {  	[sflag:s21] =	ssyncset.done @!p0 $0x0  }
0x47: {  	s23 =	sadd.s32 @!p0 s16, s12;
	[sflag:s21] =	ssyncadd.s32 @!p0 $0xFFFFFEC0  }
0x48: {  	[tilespmem:s20], [sflag:$0x5] =	stream.linear.gather @!p0 [hbm4b:s23+s20], $0x140, $0x38;
	[tilespmem:$0x14600] =	vst v63  }
0x49: {  	_ =	swait.ge @!p0 [sflag:s21], $0x140  }
0x4a: {  	[sflag:s21] =	ssyncset.done @!p0 $0x0  }
0x4b: {  	s24 =	simm.s32 @!p0 $0x180;
	s23 =	sadd.s32 @!p0 s16, s13;
	[sflag:s21] =	ssyncadd.s32 @!p0 $0xFFFFFEC0  }
0x4c: {  	[tilespmem:s24], [sflag:$0x5] =	stream.linear.gather @!p0 [hbm4b:s23+s20], $0x140, $0x38;
	[tilespmem:$0x14600] =	vst v63  }
0x4d: {  	_ =	swait.ge @!p0 [sflag:s21], $0x140  }
0x4e: {  	[sflag:s21] =	ssyncset.done @!p0 $0x0  }
0x4f: {  	s16 =	sadd.s32 @!p0 s16, s14;
	s23 =	simm.s32 @!p0 $0x300;
	[sflag:s21] =	ssyncadd.s32 @!p0 $0xFFFFFEC0  }
0x50: {  	[tilespmem:s23], [sflag:$0x5] =	stream.linear.gather @!p0 [hbm4b:s16+s20], $0x140, $0x38;
	[tilespmem:$0x14600] =	vst v63  }
0x51: {  	s16 =	smov.u32 s22;
	_ =	swait.ge @!p0 [sflag:s21], $0x140  }
0x52: {  	[sflag:s21] =	ssyncset.done @!p0 $0x0  }
0x53: {  	s25 =	simm.s32 @!p0 $0x600;
	s22 =	simm.s32 @!p0 $0x140;
	[sflag:s21] =	ssyncadd.s32 @!p0 $0xFFFFFEC0  }
0x54: {  	[tilespmem:s25], [sflag:$0x1] =	stream.indirect.gather @!p0 [hbm4b:s2+s22], $0x80, s20, s22, $0xb8;
	[tilespmem:$0x14600] =	vst v63  }
0x55: {  	s26 =	simm.s32 @!p0 $0xA600;
	s28 =	simm.s32 @!p0 $0x1  }
0x56: {  	[tilespmem:s26], [sflag:$0x2] =	stream.indirect.gather @!p0 [hbm4b:s2+s22], $0x80, s24, s22, $0xb8;
	[tilespmem:$0x14600] =	vst v63  }
0x57: {  	_ =	swait.ge @!p0 [sflag:s28], $0xA000  }
0x58: {  	[sflag:s28] =	ssyncset.done @!p0 $0x0  }
0x59: {  	s24 =	simm.s32 @!p0 $0x2;
	[sflag:s28] =	ssyncadd.s32 @!p0 $0xFFFF6000  }
0x5a: {  	[hbm4b:s4+s22] =	stream.indirect.scatter @!p0 [tilespmem:s25], [sflag:$0x3], $0x80, s19, s22, $0xb8;
	[tilespmem:$0x14600] =	vst v63  }
0x5b: {  	_ =	swait.ge @!p0 [sflag:s24], $0xA000  }
0x5c: {  	[sflag:s24] =	ssyncset.done @!p0 $0x0  }
0x5d: {  	s29 =	simm.s32 @!p0 $0x3;
	[sflag:s24] =	ssyncadd.s32 @!p0 $0xFFFF6000  }
0x5e: {  	[hbm4b:s5+s22] =	stream.indirect.scatter @!p0 [tilespmem:s26], [sflag:$0x4], $0x80, s19, s22, $0xb8;
	[tilespmem:$0x14600] =	vst v63  }
0x5f: {  	_ =	swait.ge @!p0 [sflag:s29], $0xA000  }
0x60: {  	[sflag:s29] =	ssyncset.done @!p0 $0x0  }
0x61: {  	s21 =	simm.s32 @!p0 $0x4;
	[sflag:s29] =	ssyncadd.s32 @!p0 $0xFFFF6000  }
0x62: {  	[tilespmem:s25], [sflag:$0x1] =	stream.indirect.gather @!p0 [hbm4b:s2+s22], $0x80, s23, s22, $0xb8;
	[tilespmem:$0x14600] =	vst v63  }
0x63: {  	_ =	swait.ge @!p0 [sflag:s21], $0xA000  }
0x64: {  	[sflag:s21] =	ssyncset.done @!p0 $0x0  }
0x65: {  	[sflag:s21] =	ssyncadd.s32 @!p0 $0xFFFF6000  }
0x66: {  	[tilespmem:s26], [sflag:$0x2] =	stream.linear.gather @!p0 [hbm4b:s15+s20], $0xA000, $0x38;
	[tilespmem:$0x14600] =	vst v63  }
0x67: {  	_ =	swait.ge @!p0 [sflag:s28], $0xA000  }
0x68: {  	[sflag:s28] =	ssyncset.done @!p0 $0x0  }
0x69: {  	[sflag:s28] =	ssyncadd.s32 @!p0 $0xFFFF6000  }
0x6a: {  	[hbm4b:s6+s22] =	stream.indirect.scatter @!p0 [tilespmem:s25], [sflag:$0x3], $0x80, s19, s22, $0xb8;
	[tilespmem:$0x14600] =	vst v63  }
0x6b: {  	_ =	swait.ge @!p0 [sflag:s24], $0xA000  }
0x6c: {  	[sflag:s24] =	ssyncset.done @!p0 $0x0  }
0x6d: {  	[sflag:s24] =	ssyncadd.s32 @!p0 $0xFFFF6000  }
0x6e: {  	[hbm4b:s7+s22] =	stream.indirect.scatter @!p0 [tilespmem:s26], [sflag:$0x4], $0x80, s19, s22, $0xb8;
	[tilespmem:$0x14600] =	vst v63  }
.Ltmp0:
0x6f: {  	_ = 	snop;
	(pc) =	sbr.rel @p1 .LBB2_2-.Ltmp0, $4  }
0x70: {  	_ =	swait.ge @!p0 [sflag:s29], $0xA000  }
0x71: {  	[sflag:s29] =	ssyncset.done @!p0 $0x0  }
0x72: {  	[sflag:s29] =	ssyncadd.s32 @!p0 $0xFFFF6000  }
0x73: {  	s18 =	sadd.s32 $0x20, s18;
	s15 =	sadd.s32 $0x28000, s15;
	_ =	swait.ge @!p0 [sflag:s21], $0xA000  }
0x74: {  	p1 =	sgt.u32 s18, $0x1F3  }
0x75: {  	[sflag:s21] =	ssyncset.done @!p0 $0x0;
	s17 =	sadd.s32 @!p1 s16, s11;
	s18 =	simm.s32 @!p1 $0x0  }
0x76: {  	[sflag:s21] =	ssyncadd.s32 @!p0 $0xFFFF6000;
	s19 =	simm.s32 @!p1 $0x480;
	s20 =	simm.s32 @!p1 $0x5  }
0x77: {  	[tilespmem:s19], [sflag:$0x5] =	stream.linear.gather @!p1 [hbm4b:s17+s18], $0x140, $0x38;
	[tilespmem:$0x14600] =	vst v63  }
0x78: {  	p0 =	por p1, p1;
	_ =	swait.ge @!p1 [sflag:s20], $0x140  }
0x79: {  	[sflag:s20] =	ssyncset.done @!p0 $0x0  }
0x7a: {  	s17 =	sadd.s32 @!p0 s16, s12;
	[sflag:s20] =	ssyncadd.s32 @!p0 $0xFFFFFEC0  }
0x7b: {  	[tilespmem:s18], [sflag:$0x5] =	stream.linear.gather @!p0 [hbm4b:s17+s18], $0x140, $0x38;
	[tilespmem:$0x14600] =	vst v63  }
0x7c: {  	_ =	swait.ge @!p0 [sflag:s20], $0x140  }
0x7d: {  	[sflag:s20] =	ssyncset.done @!p0 $0x0  }
0x7e: {  	s21 =	simm.s32 @!p0 $0x180;
	s17 =	sadd.s32 @!p0 s16, s13;
	[sflag:s20] =	ssyncadd.s32 @!p0 $0xFFFFFEC0  }
0x7f: {  	[tilespmem:s21], [sflag:$0x5] =	stream.linear.gather @!p0 [hbm4b:s17+s18], $0x140, $0x38;
	[tilespmem:$0x14600] =	vst v63  }
0x80: {  	_ =	swait.ge @!p0 [sflag:s20], $0x140  }
0x81: {  	[sflag:s20] =	ssyncset.done @!p0 $0x0  }
0x82: {  	s16 =	sadd.s32 @!p0 s16, s14;
	s17 =	simm.s32 @!p0 $0x300;
	[sflag:s20] =	ssyncadd.s32 @!p0 $0xFFFFFEC0  }
0x83: {  	[tilespmem:s17], [sflag:$0x5] =	stream.linear.gather @!p0 [hbm4b:s16+s18], $0x140, $0x38;
	[tilespmem:$0x14600] =	vst v63  }
0x84: {  	_ =	swait.ge @!p0 [sflag:s20], $0x140  }
0x85: {  	[sflag:s20] =	ssyncset.done @!p0 $0x0  }
0x86: {  	s16 =	simm.s32 @!p0 $0x140;
	[sflag:s20] =	ssyncadd.s32 @!p0 $0xFFFFFEC0;
	s20 =	simm.s32 @!p0 $0x600  }
0x87: {  	[tilespmem:s20], [sflag:$0x1] =	stream.indirect.gather @!p0 [hbm4b:s2+s16], $0x80, s18, s16, $0xb8;
	[tilespmem:$0x14600] =	vst v63  }
0x88: {  	s22 =	simm.s32 @!p0 $0xA600;
	s23 =	simm.s32 @!p0 $0x1  }
0x89: {  	[tilespmem:s22], [sflag:$0x2] =	stream.indirect.gather @!p0 [hbm4b:s2+s16], $0x80, s21, s16, $0xb8;
	[tilespmem:$0x14600] =	vst v63  }
0x8a: {  	_ =	swait.ge @!p0 [sflag:s23], $0xA000  }
0x8b: {  	[sflag:s23] =	ssyncset.done @!p0 $0x0  }
0x8c: {  	s21 =	simm.s32 @!p0 $0x2;
	[sflag:s23] =	ssyncadd.s32 @!p0 $0xFFFF6000  }
0x8d: {  	[hbm4b:s4+s16] =	stream.indirect.scatter @!p0 [tilespmem:s20], [sflag:$0x3], $0x80, s19, s16, $0xb8;
	[tilespmem:$0x14600] =	vst v63  }
0x8e: {  	_ =	swait.ge @!p0 [sflag:s21], $0xA000  }
0x8f: {  	[sflag:s21] =	ssyncset.done @!p0 $0x0  }
0x90: {  	s24 =	simm.s32 @!p0 $0x3;
	[sflag:s21] =	ssyncadd.s32 @!p0 $0xFFFF6000  }
0x91: {  	[hbm4b:s5+s16] =	stream.indirect.scatter @!p0 [tilespmem:s22], [sflag:$0x4], $0x80, s19, s16, $0xb8;
	[tilespmem:$0x14600] =	vst v63  }
0x92: {  	_ =	swait.ge @!p0 [sflag:s24], $0xA000  }
0x93: {  	[sflag:s24] =	ssyncset.done @!p0 $0x0  }
0x94: {  	s25 =	simm.s32 @!p0 $0x4;
	[sflag:s24] =	ssyncadd.s32 @!p0 $0xFFFF6000  }
0x95: {  	[tilespmem:s20], [sflag:$0x1] =	stream.indirect.gather @!p0 [hbm4b:s2+s16], $0x80, s17, s16, $0xb8;
	[tilespmem:$0x14600] =	vst v63  }
0x96: {  	_ =	swait.ge @!p0 [sflag:s25], $0xA000  }
0x97: {  	[sflag:s25] =	ssyncset.done @!p0 $0x0  }
0x98: {  	[sflag:s25] =	ssyncadd.s32 @!p0 $0xFFFF6000  }
0x99: {  	[tilespmem:s22], [sflag:$0x2] =	stream.linear.gather @!p0 [hbm4b:s15+s18], $0xA000, $0x38;
	[tilespmem:$0x14600] =	vst v63  }
0x9a: {  	_ =	swait.ge @!p0 [sflag:s23], $0xA000  }
0x9b: {  	[sflag:s23] =	ssyncset.done @!p0 $0x0  }
0x9c: {  	[sflag:s23] =	ssyncadd.s32 @!p0 $0xFFFF6000  }
0x9d: {  	[hbm4b:s6+s16] =	stream.indirect.scatter @!p0 [tilespmem:s20], [sflag:$0x3], $0x80, s19, s16, $0xb8;
	[tilespmem:$0x14600] =	vst v63  }
0x9e: {  	_ =	swait.ge @!p0 [sflag:s21], $0xA000  }
0x9f: {  	[sflag:s21] =	ssyncset.done @!p0 $0x0  }
0xa0: {  	s3 =	sadd.s32 $0x1, s3;
	[sflag:s21] =	ssyncadd.s32 @!p0 $0xFFFF6000  }
0xa1: {  	[hbm4b:s7+s16] =	stream.indirect.scatter @!p0 [tilespmem:s22], [sflag:$0x4], $0x80, s19, s16, $0xb8;
	[tilespmem:$0x14600] =	vst v63  }
0xa2: {  	p1 =	sne.s32 s3, s9;
	_ =	swait.ge @!p0 [sflag:s24], $0xA000  }
.Ltmp1:
0xa3: {  	[sflag:s24] =	ssyncset.done @!p0 $0x0;
	(pc) =	sbr.rel @p1 .LBB2_1-.Ltmp1, $4  }
0xa4: {  	[sflag:s24] =	ssyncadd.s32 @!p0 $0xFFFF6000  }
0xa5: {  	_ =	swait.ge @!p0 [sflag:s25], $0xA000  }
0xa6: {  	[sflag:s25] =	ssyncset.done @!p0 $0x0  }
0xa7: {  	[sflag:s25] =	ssyncadd.s32 @!p0 $0xFFFF6000  }
0xa8: {  	_ =	sfence.sel $0x180000  }
0xa9: {  	[bflag:$0x0] =	sbarrier.arrive $0xFFFF  }
0xaa: {  	p0 =	sne.s32 s1, $0x0;
	_ =	strace $0x90000047  }
0xab: {  	s0 =	sadd.s32 @!p0 $0x100000, s0;
	[bflag:$0x2] =	sbarrier.arrive $0xFFFF  }
0xac: {  	[sflag:s0] =	ssyncadd.tile.s32 @!p0 $0x1;
	_ =	shalt  }
.Lfunc_end2:
_tile_overlayer_lowered:
.L_overlay_start_2:
0xad: {  	(tag) =	ssettag $0x2  }
0xae: {  	s0 =	rddreg [dreg:$0x0];
	s2 =	stileid.u32  }
0xaf: {  	s1 =	rddreg [dreg:$0x1];
	p0 =	sne.s32 s2, $0x0  }
0xb0: {  	s3 =	rddreg [dreg:$0x2];
	[bflag:$0x3] =	sbarrier.arrive $0xFFFF;
	s2 =	simm.s32 @!p0 $0x1C05  }
0xb1: {  	[timem:s3], [sflag:s2] =	dma.local @!p0 [hbm:s0], s1  }
0xb2: {  	s0 =	simm.s32 @!p0 $0x5  }
0xb3: {  	_ =	swait.ge @!p0 [sflag:s0], s1  }
0xb4: {  	s1 =	ssub.s32 @!p0 $0x0, s1;
	[sflag:s0] =	ssyncset.done @!p0 $0x0  }
0xb5: {  	[sflag:s0] =	ssyncadd.s32 @!p0 s1  }
0xb6: {  	[bflag:$0x3] =	sbarrier.arrive $0xFFFF  }
0xb7: {  	_ =	shalt  }

// kernel: kernel.13.cloned.1.call-start
scs
__scs_entry_jumppad:
0x0: {  	(pc) =	sbr.rel $0x88, $3  }
0x1: {  	(tag) =	ssettag $0x0;
	lr =	simm.s32 $0x1  }
0x2: {  	[smem:$0x3F94] =	sst lr;
	_ =	strace $0xD0000000  }
0x3: {  	_ = 	snop  }
0x4: {  	_ = 	snop  }
0x5: {  	_ = 	snop  }
0x6: {  	_ = 	snop  }
0x7: {  	_ = 	snop  }
__scs_overlays_trampoline_lowered:
0x8: {  	[smem:$0x3FA3] =	sst s0  }
0x9: {  	[smem:$0x3FA4] =	sst s1  }
0xa: {  	[smem:$0x3FA5] =	sst s2  }
0xb: {  	[smem:$0x3FA6] =	sst s3  }
0xc: {  	[smem:$0x3FA7] =	sst s4  }
0xd: {  	[smem:$0x3FA8] =	sst s5  }
0xe: {  	[smem:$0x3FA9] =	sst s6  }
0xf: {  	[smem:$0x3FAA] =	sst s7  }
0x10: {  	[smem:$0x3FAB] =	sst s8  }
0x11: {  	[smem:$0x3FAC] =	sst s9;
	s0 =	simm.s32 @!p0 $0x0  }
0x12: {  	s1 =	sld [smem:$0x3F92];
	s0 =	simm.s32 @p0 $0x1  }
0x13: {  	[smem:$0x3FAD] =	sst s0;
	s0 =	simm.s32 @!p1 $0x0  }
0x14: {  	s2 =	sld [smem:$0x3F91];
	s0 =	simm.s32 @p1 $0x1  }
0x15: {  	[smem:$0x3FAE] =	sst s0;
	s0 =	simm.s32 @!p2 $0x0  }
0x16: {  	s3 =	sld [smem:$0x3FDB];
	s0 =	simm.s32 @p2 $0x1  }
0x17: {  	s4 =	simm.s32 $0x1BF5;
	[smem:$0x3FB0] =	sst s0  }
0x18: {  	s0 =	sld [smem:$0x3F93];
	_ =	swait.ge [sflag:s4], $0x0  }
0x19: {  	s7 =	sld [smem:$0x3F94]  }
0x1a: {  	s8 =	sadd.s32 $0xFFFFE003, lr  }
0x1b: {  	s9 =	sadd.s32 $0xFFFFFEF7, lr;
	s5 =	simm.s32 $0xFFFFFFFF;
	p2 =	slt.u32 s8, $0xFFFFF086  }
0x1c: {  	p1 =	slt.u32 s9, $0xF7A;
	s5 =	simm.s32 @!p2 $0x0  }
0x1d: {  	s5 =	simm.s32 @p1 $0x1;
	p0 =	seq.s32 s7, s2  }
0x1e: {  	s7 =	smul.u32 @!p0 $0xF7A, s2;
	p2 =	seq.s32 @!p0 s5, $0x0  }
0x1f: {  	s9 =	smul.u32 $0xF7A, s1;
	s8 =	simm.s32 @!p0 $0x1BF5;
	p2 =	por !p2, p0  }
0x20: {  	[sflag:s8] =	ssyncset.s32 @!p0 $0xFFFFF086;
	s6 =	sadd.s32 @!p0 s3, s7;
	s7 =	simm.s32 @!p0 $0x108  }
0x21: {  	s3 =	sadd.s32 s3, s9;
	s6 =	sadd.s32 @!p0 $0x88, s6;
	s7 =	simm.s32 @p2 $0x1082  }
0x22: {  	[simem:s7], [sflag:s8] =	dma.local @!p0 [hbm:s6], $0xF7A  }
0x23: {  	s9 =	sor.u32 $0xD0000000, s2;
	s6 =	simm.s32 $0x108;
	_ =	swait.ge @!p0 [sflag:s8], $0x0  }
0x24: {  	s3 =	sadd.s32 $0x88, s3;
	s6 =	simm.s32 @!p1 $0x1082;
	[sflag:s4] =	ssyncset.s32 $0xFFFFF086  }
0x25: {  	[simem:s6], [sflag:s4] =	dma.local [hbm:s3], $0xF7A  }
0x26: {  	[smem:$0x3F94] =	sst s1;
	(tag) =	ssettag s2;
	_ =	strace s9  }
0x27: {  	s1 =	sld [smem:$0x3FA4]  }
0x28: {  	s2 =	sld [smem:$0x3FA5]  }
0x29: {  	s4 =	sld [smem:$0x3FA7]  }
0x2a: {  	p0 =	seq.s32 s5, $0x0;
	s5 =	sld [smem:$0x3FA8]  }
0x2b: {  	s6 =	sld [smem:$0x3FA9]  }
0x2c: {  	s7 =	sld [smem:$0x3FAA]  }
0x2d: {  	s3 =	simm.s32 $0x108;
	s8 =	sld [smem:$0x3FAB]  }
0x2e: {  	s3 =	simm.s32 @!p0 $0x1082;
	s9 =	sld [smem:$0x3FAC]  }
0x2f: {  	lr =	sadd.s32 s0, s3;
	s0 =	sld [smem:$0x3FA3]  }
0x30: {  	s3 =	sld [smem:$0x3FA6]  }
0x31: {  	[smem:$0x3FAF] =	sst s10  }
0x32: {  	s10 =	sld [smem:$0x3FAD];
	_ =	sdelay $0x3  }
0x33: {  	p0 =	seq.s32 s10, $0x1;
	s10 =	sld [smem:$0x3FAF];
	_ =	sdelay $0x3  }
0x34: {  	[smem:$0x3FAF] =	sst s10  }
0x35: {  	s10 =	sld [smem:$0x3FAE];
	_ =	sdelay $0x3  }
0x36: {  	p1 =	seq.s32 s10, $0x1;
	s10 =	sld [smem:$0x3FAF];
	_ =	sdelay $0x3  }
0x37: {  	[smem:$0x3FAF] =	sst s10  }
0x38: {  	s10 =	sld [smem:$0x3FB0]  }
0x39: {  	_ = 	snop;
	(pc) =	sbr.ind lr, $3  }
0x3a: {  	_ = 	snop  }
0x3b: {  	_ = 	snop  }
0x3c: {  	p2 =	seq.s32 s10, $0x1;
	s10 =	sld [smem:$0x3FAF]  }
0x3d: {  	_ =	shalt  }
0x3e: {  	_ =	shalt  }
0x3f: {  	_ =	shalt  }
0x40: {  	_ =	shalt  }
0x41: {  	_ =	shalt  }
0x42: {  	_ =	shalt  }
0x43: {  	_ =	shalt  }
0x44: {  	_ =	shalt  }
0x45: {  	_ =	shalt  }
0x46: {  	_ =	shalt  }
0x47: {  	_ =	shalt  }
0x48: {  	_ =	shalt  }
0x49: {  	_ =	shalt  }
0x4a: {  	_ =	shalt  }
0x4b: {  	_ =	shalt  }
0x4c: {  	_ =	shalt  }
0x4d: {  	_ =	shalt  }
0x4e: {  	_ =	shalt  }
0x4f: {  	_ =	shalt  }
0x50: {  	_ =	shalt  }
0x51: {  	_ =	shalt  }
0x52: {  	_ =	shalt  }
0x53: {  	_ =	shalt  }
0x54: {  	_ =	shalt  }
0x55: {  	_ =	shalt  }
0x56: {  	_ =	shalt  }
0x57: {  	_ =	shalt  }
0x58: {  	_ =	shalt  }
0x59: {  	_ =	shalt  }
0x5a: {  	_ =	shalt  }
0x5b: {  	_ =	shalt  }
0x5c: {  	_ =	shalt  }
0x5d: {  	_ =	shalt  }
0x5e: {  	_ =	shalt  }
0x5f: {  	_ =	shalt  }
0x60: {  	_ =	shalt  }
0x61: {  	_ =	shalt  }
0x62: {  	_ =	shalt  }
0x63: {  	_ =	shalt  }
0x64: {  	_ =	shalt  }
0x65: {  	_ =	shalt  }
0x66: {  	_ =	shalt  }
0x67: {  	_ =	shalt  }
0x68: {  	_ =	shalt  }
0x69: {  	_ =	shalt  }
0x6a: {  	_ =	shalt  }
0x6b: {  	_ =	shalt  }
0x6c: {  	_ =	shalt  }
0x6d: {  	_ =	shalt  }
0x6e: {  	_ =	shalt  }
0x6f: {  	_ =	shalt  }
0x70: {  	_ =	shalt  }
0x71: {  	_ =	shalt  }
0x72: {  	_ =	shalt  }
0x73: {  	_ =	shalt  }
0x74: {  	_ =	shalt  }
0x75: {  	_ =	shalt  }
0x76: {  	_ =	shalt  }
0x77: {  	_ =	shalt  }
0x78: {  	_ =	shalt  }
0x79: {  	_ =	shalt  }
0x7a: {  	_ =	shalt  }
0x7b: {  	_ =	shalt  }
0x7c: {  	_ =	shalt  }
0x7d: {  	_ =	shalt  }
0x7e: {  	_ =	shalt  }
0x7f: {  	_ =	shalt  }
0x80: {  	_ =	shalt  }
0x81: {  	_ =	shalt  }
0x82: {  	_ =	shalt  }
0x83: {  	_ =	shalt  }
0x84: {  	_ =	shalt  }
0x85: {  	_ =	shalt  }
0x86: {  	_ =	shalt  }
0x87: {  	_ =	shalt  }
.Lfunc_end0:
.L_simem_size_0:
called_computation.1_lowered:
.L_overlay_start_0:
0x88: {  	s2 =	sld [smem:$0x3FD9]  }
0x89: {  	s3 =	sld [smem:$0x3FFE];
	_ =	sdelay $0x1  }
0x8a: {  	s1 =	srdreg.scid  }
0x8b: {  	s0 =	sand.u32 $0x1, s1  }
0x8c: {  	s16 =	sshll.u32 s0, $0xA;
	s2 =	sadd.s32 s3, s2  }
0x8d: {  	s2 =	sadd.s32 s2, s16  }
0x8e: {  	[smem:$0x3FBB] =	sst s2  }
0x8f: {  	_ = 	snop  }
0x90: {  	(tm) =	ssettm $0x1  }
0x91: {  	s17 =	sld [smem:$0x3FFB];
	_ =	sdelay $0x3  }
0x92: {  	_ =	strace s17  }
0x93: {  	s2 =	sld [smem:$0x3FFC];
	_ =	sdelay $0x3  }
0x94: {  	_ =	strace s2  }
0x95: {  	s2 =	sld [smem:$0x3FFD];
	_ =	sdelay $0x3  }
0x96: {  	_ =	strace s2  }
0x97: {  	_ =	strace $0x8FFFFFFF  }
0x98: {  	s18 =	sld [smem:$0x3FDB];
	_ =	sdelay $0x1  }
0x99: {  	s19 =	simm.s32 $_scs_section_size  }
0x9a: {  	s4 =	simm.s32 $_size__tile_overlayer_lowered;
	s5 =	simm.s32 $_tile_overlayer_lowered  }
0x9b: {  	s22 =	simm.s32 $0x1BFF;
	s21 =	sshll.u32 s5, $0x1;
	s2 =	sadd.s32 s19, s18  }
0x9c: {  	s6 =	simm.s32 $0x0;
	s20 =	sshll.u32 s4, $0x1;
	s4 =	sadd.s32 s21, s2  }
0x9d: {  	[timem:s6], [sflag:s22] =	dma.local [hbm:s4], s20  }
0x9e: {  	_ =	swait.ge [sflag:s22], s20  }
0x9f: {  	s3 =	ssub.s32 $0x0, s20;
	[sflag:s22] =	ssyncset.done $0x0  }
0xa0: {  	[sflag:s22] =	ssyncadd.s32 s3;
	_ =	sdelay $0x1  }
0xa1: {  	s23 =	simm.s32 $0x1B8B  }
0xa2: {  	_ =	swait.ge [sflag:s23], $0x1  }
0xa3: {  	[sflag:s23] =	ssyncset.done $0x0  }
0xa4: {  	s25 =	simm.s32 $0x1B8E;
	s24 =	sld [smem:$0x3FFE];
	[sflag:s23] =	ssyncadd.s32 $0xFFFFFFFF  }
0xa5: {  	s26 =	simm.s32 $execute0_lowered;
	[smem:$0x3FD2] =	sst s25  }
0xa6: {  	s4 =	sshll.u32 s26, $0x1;
	_ =	strace $0x80000049;
	[dreg:$0x1] =	wrdreg $0xFFFFFFFF  }
0xa7: {  	s28 =	simm.s32 $_size_execute0_lowered;
	s2 =	sadd.s32 s2, s4;
	[dreg:$0x0] =	wrdreg $0x0  }
0xa8: {  	s4 =	sshll.u32 s28, $0x1;
	[dreg:$0x2] =	wrdreg s2  }
0xa9: {  	[dreg:$0x3] =	wrdreg s4  }
0xaa: {  	[dreg:$0x4] =	wrdreg $0xC0  }
0xab: {  	_ =	task [dreg:s6], $0x5FFFF  }
0xac: {  	[dreg:$0x1] =	wrdreg $0xFFFFFFFF  }
0xad: {  	[dreg:$0x0] =	wrdreg $0x60  }
0xae: {  	[dreg:$0x2] =	wrdreg s24  }
0xaf: {  	[dreg:$0x3] =	wrdreg $0xA3000  }
0xb0: {  	[dreg:$0x4] =	wrdreg $0x9  }
0xb1: {  	_ =	task.clear_ibuf [dreg:s6], $0x5FFFF;
	_ =	strace $0x90000049  }
0xb2: {  	s29 =	simm.s32 $0x9;
	_ =	strace $0x8000004B  }
0xb3: {  	_ =	swait.ge [sflag:s29], $0x1  }
0xb4: {  	[sflag:s29] =	ssyncadd.s32 $0xFFFFFFFF  }
0xb5: {  	_ =	strace $0x9000004B  }
0xb6: {  	_ =	sfence  }
0xb7: {  	s30 =	sld [smem:$0x0];
	_ =	sdelay $0x2  }
0xb8: {  	s31 =	sshll.u32 s1, $0xD;
	s1 =	sshrl.u32 s1, $0x2  }
0xb9: {  	s3 =	sand.u32 $0x4000, s31;
	s1 =	sadd.s32 s1, s30  }
0xba: {  	s0 =	sor.u32 s3, s0;
	s1 =	sshll.u32 s1, $0x11  }
0xbb: {  	s0 =	sor.u32 s1, s0  }
0xbc: {  	s0 =	sadd.s32 $0x8F2B, s0  }
0xbd: {  	[sflag:s0] =	ssyncadd.remote.s32 $0x1  }
0xbe: {  	_ =	sfence.sel $0xFFFF  }
0xbf: {  	[dreg:$0x0] =	wrdreg $0xFFFFFFFF;
	(pc) =	sbr.abs _section_cstart, $3  }
0xc0: {  	[dreg:$0x1] =	wrdreg $0xFFFFFFFF  }
0xc1: {  	_ =	task.clear_ibuf [dreg:s6], $0x2FFFF;
	_ =	strace $0x9FFFFFFF  }
0xc2: {  	(tm) =	ssettm $0x7FFFFFFF  }
0xc3: {  	_ =	shalt  }
tec
execute0_lowered:
.L_overlay_start_1:
0x0: {  	(tag) =	ssettag $0x1  }
0x1: {  	s5 =	rddreg [dreg:$0x0]  }
0x2: {  	s1 =	rddreg [dreg:$0x1]  }
0x3: {  	s3 =	srdreg.scid;
	s12 =	stileid.u32  }
0x4: {  	s0 =	rddreg [dreg:$0x2];
	s8 =	smul.u32 $0x14000, s12  }
0x5: {  	s2 =	simm.s32 $0x0;
	s14 =	simm.s32 $0x2;
	s11 =	smul.u32 $0x50000, s12  }
0x6: {  	s6 =	sand.u32 $0x1, s3;
	[smem:$0x7FF] =	sst s2;
	s31 =	smul.u32 $0x28, s12  }
0x7: {  	s3 =	sadd.s32 $0x10600, s5;
	p0 =	sne.s32 s12, $0x0;
	s4 =	smul.u32 $0x2710, s6  }
0x8: {  	s7 =	smul.u32 $0x140000, s6;
	_ =	strace $0x8000004A;
	s30 =	ssub.s32 $0x2, s6  }
0x9: {  	s6 =	smul.u32 $0xFA, s6;
	s10 =	sshrl.u32 s30, $0x1;
	s11 =	sshrl.u32 s11, $0x2  }
0xa: {  	s9 =	sadd.s32 s4, s5;
	s4 =	sadd.s32 $0x2D0600, s5;
	s7 =	sadd.s32 s8, s7  }
0xb: {  	s8 =	ssub.s32 s30, s10;
	s13 =	sadd.s32 s11, s1;
	s11 =	sshrl.u32 @!p0 s1, $0x3  }
0xc: {  	s7 =	sshrl.u32 s7, $0x3;
	s10 =	sadd.s32 s31, s9;
	s8 =	smax.u32 s8, $0x1  }
0xd: {  	s13 =	sshrl.u32 s13, $0x3;
	s7 =	sadd.s32 s7, s5;
	s5 =	sadd.s32 $0xFA, s6  }
0xe: {  	s6 =	sadd.s32 s12, s6;
	s9 =	sadd.s32 $0xB600, s10;
	s12 =	sshll.u32 s12, $0x6  }
0xf: {  	s10 =	sadd.s32 $0x6600, s10;
	s7 =	sadd.s32 $0x2F8600, s7;
	s12 =	sor.u32 $0x1C02, s12  }
.LBB2_1:
0x10: {  	s15 =	simm.s32 @!p0 $0x1C02  }
0x11: {  	[spmem:s11], [sflag:s15] =	dma.local @!p0 [hbm:s4], $0x28000  }
0x12: {  	s15 =	simm.s32 @!p0 $0x2  }
0x13: {  	_ =	swait.ge @!p0 [sflag:s15], $0x28000  }
0x14: {  	p1 =	sge.u32 s6, s5;
	[sflag:s15] =	ssyncset.done @!p0 $0x0  }
0x15: {  	s16 =	simm.s32 @!p1 $0x0;
	s17 =	simm.s32 @!p1 $0x180;
	[sflag:s15] =	ssyncadd.s32 @!p0 $0xFFFD8000  }
0x16: {  	s18 =	simm.s32 @!p1 $0x3;
	s15 =	sadd.s32 @!p1 $0x0, s9;
	[bflag:$0x0] =	sbarrier.arrive $0xFFFF  }
0x17: {  	[tilespmem:s17], [sflag:$0x3] =	stream.linear.gather @!p1 [hbm4b:s15+s16], $0x140, $0x38;
	[tilespmem:$0x1E300] =	vst v63  }
0x18: {  	_ =	swait.ge @!p1 [sflag:s18], $0x140  }
0x19: {  	s19 =	simm.s32 @!p1 $0x300;
	[sflag:s18] =	ssyncset.done @!p1 $0x0  }
0x1a: {  	s20 =	simm.s32 @!p1 $0x1;
	s15 =	simm.s32 @!p1 $0x140;
	[sflag:s18] =	ssyncadd.s32 @!p1 $0xFFFFFEC0  }
0x1b: {  	[tilespmem:s19], [sflag:$0x1] =	stream.indirect.gather @!p1 [hbm4b:s3+s15], $0x80, s17, s15, $0xb8;
	[tilespmem:$0x1E300] =	vst v63  }
0x1c: {  	_ =	swait.ge @!p1 [sflag:s20], $0xA000;
	p1 =	por p1, p1  }
0x1d: {  	[sflag:s20] =	ssyncset.done @!p1 $0x0  }
0x1e: {  	s17 =	sadd.s32 @!p1 $0x0, s10;
	[sflag:s20] =	ssyncadd.s32 @!p1 $0xFFFF6000  }
0x1f: {  	[tilespmem:s16], [sflag:$0x3] =	stream.linear.gather @!p1 [hbm4b:s17+s16], $0x140, $0x38;
	[tilespmem:$0x1E300] =	vst v63  }
0x20: {  	_ =	swait.ge @!p1 [sflag:s18], $0x140  }
0x21: {  	[sflag:s18] =	ssyncset.done @!p1 $0x0  }
0x22: {  	[sflag:s18] =	ssyncadd.s32 @!p1 $0xFFFFFEC0  }
0x23: {  	[spmem:s1] =	stream.indirect.scatter.add.f32 @!p1 [tilespmem:s19], [sflag:$0x2], $0x80, s16, s15, $0xb8;
	[tilespmem:$0x1E300] =	vst v63  }
0x24: {  	s17 =	simm.s32 $0x500;
	s18 =	simm.s32 @!p1 $0x2;
	s16 =	sadd.s32 $0x10, s6  }
0x25: {  	s15 =	simm.s32 $0x280;
	p2 =	sge.u32 s16, s5;
	_ =	swait.ge @!p1 [sflag:s18], $0xA000  }
.LBB2_2:
0x26: {  	s19 =	sadd.s32 @!p2 s15, s9;
	s20 =	simm.s32 @!p2 $0x0;
	[sflag:s18] =	ssyncset.done @!p1 $0x0  }
0x27: {  	s21 =	simm.s32 @!p2 $0x180;
	s22 =	simm.s32 @!p2 $0x3;
	[sflag:s18] =	ssyncadd.s32 @!p1 $0xFFFF6000  }
0x28: {  	[tilespmem:s21], [sflag:$0x3] =	stream.linear.gather @!p2 [hbm4b:s19+s20], $0x140, $0x38;
	[tilespmem:$0x1E300] =	vst v63  }
0x29: {  	s18 =	smov.u32 s17;
	s17 =	sadd.s32 $0x280, s17;
	_ =	swait.ge @!p2 [sflag:s22], $0x140  }
0x2a: {  	s23 =	simm.s32 @!p2 $0x300;
	s19 =	simm.s32 @!p2 $0x140;
	[sflag:s22] =	ssyncset.done @!p2 $0x0  }
0x2b: {  	s24 =	simm.s32 @!p2 $0x1;
	p3 =	sne.s32 s17, $0x2800;
	[sflag:s22] =	ssyncadd.s32 @!p2 $0xFFFFFEC0  }
0x2c: {  	[tilespmem:s23], [sflag:$0x1] =	stream.indirect.gather @!p2 [hbm4b:s3+s19], $0x80, s21, s19, $0xb8;
	[tilespmem:$0x1E300] =	vst v63  }
0x2d: {  	p1 =	por p2, p2;
	_ =	swait.ge @!p2 [sflag:s24], $0xA000  }
0x2e: {  	s21 =	sadd.s32 @!p1 s15, s10;
	s15 =	smov.u32 s18;
	[sflag:s24] =	ssyncset.done @!p1 $0x0  }
0x2f: {  	[sflag:s24] =	ssyncadd.s32 @!p1 $0xFFFF6000  }
0x30: {  	[tilespmem:s20], [sflag:$0x3] =	stream.linear.gather @!p1 [hbm4b:s21+s20], $0x140, $0x38;
	[tilespmem:$0x1E300] =	vst v63  }
.Ltmp0:
0x31: {  	_ =	swait.ge @!p1 [sflag:s22], $0x140;
	(pc) =	sbr.rel @p3 .LBB2_2-.Ltmp0, $4  }
0x32: {  	[sflag:s22] =	ssyncset.done @!p1 $0x0  }
0x33: {  	s16 =	sadd.s32 $0x10, s16;
	s18 =	simm.s32 @!p1 $0x2;
	[sflag:s22] =	ssyncadd.s32 @!p1 $0xFFFFFEC0  }
0x34: {  	[spmem:s1] =	stream.indirect.scatter.add.f32 @!p1 [tilespmem:s23], [sflag:$0x2], $0x80, s20, s19, $0xb8;
	[tilespmem:$0x1E300] =	vst v63  }
0x35: {  	p2 =	sge.u32 s16, s5;
	_ =	swait.ge @!p1 [sflag:s18], $0xA000  }
0x36: {  	s16 =	sadd.s32 @!p2 s15, s9;
	s17 =	simm.s32 @!p2 $0x0;
	[sflag:s18] =	ssyncset.done @!p1 $0x0  }
0x37: {  	s19 =	simm.s32 @!p2 $0x180;
	s20 =	simm.s32 @!p2 $0x3;
	[sflag:s18] =	ssyncadd.s32 @!p1 $0xFFFF6000  }
0x38: {  	[tilespmem:s19], [sflag:$0x3] =	stream.linear.gather @!p2 [hbm4b:s16+s17], $0x140, $0x38;
	[tilespmem:$0x1E300] =	vst v63  }
0x39: {  	_ =	swait.ge @!p2 [sflag:s20], $0x140  }
0x3a: {  	s21 =	simm.s32 @!p2 $0x1;
	[sflag:s20] =	ssyncset.done @!p2 $0x0  }
0x3b: {  	s18 =	simm.s32 @!p2 $0x300;
	s16 =	simm.s32 @!p2 $0x140;
	[sflag:s20] =	ssyncadd.s32 @!p2 $0xFFFFFEC0  }
0x3c: {  	[tilespmem:s18], [sflag:$0x1] =	stream.indirect.gather @!p2 [hbm4b:s3+s16], $0x80, s19, s16, $0xb8;
	[tilespmem:$0x1E300] =	vst v63  }
0x3d: {  	p1 =	por p2, p2;
	_ =	swait.ge @!p2 [sflag:s21], $0xA000  }
0x3e: {  	[sflag:s21] =	ssyncset.done @!p1 $0x0  }
0x3f: {  	s15 =	sadd.s32 @!p1 s15, s10;
	[sflag:s21] =	ssyncadd.s32 @!p1 $0xFFFF6000  }
0x40: {  	[tilespmem:s17], [sflag:$0x3] =	stream.linear.gather @!p1 [hbm4b:s15+s17], $0x140, $0x38;
	[tilespmem:$0x1E300] =	vst v63  }
0x41: {  	_ =	swait.ge @!p1 [sflag:s20], $0x140  }
0x42: {  	[sflag:s20] =	ssyncset.done @!p1 $0x0  }
0x43: {  	s15 =	simm.s32 @!p1 $0x2;
	[sflag:s20] =	ssyncadd.s32 @!p1 $0xFFFFFEC0  }
0x44: {  	[spmem:s1] =	stream.indirect.scatter.add.f32 @!p1 [tilespmem:s18], [sflag:$0x2], $0x80, s17, s16, $0xb8;
	[tilespmem:$0x1E300] =	vst v63  }
0x45: {  	_ =	swait.ge @!p1 [sflag:s15], $0xA000  }
0x46: {  	s2 =	sadd.s32 $0x1, s2;
	[sflag:s15] =	ssyncset.done @!p1 $0x0  }
0x47: {  	[sflag:s15] =	ssyncadd.s32 @!p1 $0xFFFF6000;
	p1 =	sne.s32 s2, s8  }
.Ltmp1:
0x48: {  	[bflag:$0x0] =	sbarrier.arrive $0xFFFF;
	(pc) =	sbr.rel @p1 .LBB2_1-.Ltmp1, $4  }
0x49: {  	[hbm:s7], [sflag:s12] =	dma.local [spmem:s13], $0x2800  }
0x4a: {  	_ =	swait.ge [sflag:s14], $0x2800  }
0x4b: {  	[sflag:s14] =	ssyncset.done $0x0  }
0x4c: {  	[sflag:s14] =	ssyncadd.s32 $0xFFFFD800  }
0x4d: {  	_ =	sfence.sel $0x180000  }
0x4e: {  	[bflag:$0x0] =	sbarrier.arrive $0xFFFF  }
0x4f: {  	_ =	strace $0x9000004A  }
0x50: {  	s0 =	sadd.s32 @!p0 $0x100000, s0;
	[bflag:$0x2] =	sbarrier.arrive $0xFFFF  }
0x51: {  	[sflag:s0] =	ssyncadd.tile.s32 @!p0 $0x1;
	_ =	shalt  }
.Lfunc_end2:
_tile_overlayer_lowered:
.L_overlay_start_2:
0x52: {  	(tag) =	ssettag $0x2  }
0x53: {  	s0 =	rddreg [dreg:$0x0];
	s2 =	stileid.u32  }
0x54: {  	s1 =	rddreg [dreg:$0x1];
	p0 =	sne.s32 s2, $0x0  }
0x55: {  	s3 =	rddreg [dreg:$0x2];
	[bflag:$0x3] =	sbarrier.arrive $0xFFFF;
	s2 =	simm.s32 @!p0 $0x1C02  }
0x56: {  	[timem:s3], [sflag:s2] =	dma.local @!p0 [hbm:s0], s1  }
0x57: {  	s0 =	simm.s32 @!p0 $0x2  }
0x58: {  	_ =	swait.ge @!p0 [sflag:s0], s1  }
0x59: {  	s1 =	ssub.s32 @!p0 $0x0, s1;
	[sflag:s0] =	ssyncset.done @!p0 $0x0  }
0x5a: {  	[sflag:s0] =	ssyncadd.s32 @!p0 s1  }
0x5b: {  	[bflag:$0x3] =	sbarrier.arrive $0xFFFF  }
0x5c: {  	_ =	shalt  }

</sc_bundles>
